<compile_context>
chip_gen: v7x
topology: tpu7x:2x2x1
jax: 0.10.2.dev20260603
libtpu: 0.0.44.dev20260713+nightly
codegen_flags: <defaults>
</compile_context>

<pallas_src>
import functools

import jax
import jax.numpy as jnp
from jax import lax
from jax.experimental import pallas as pl
from jax.experimental.pallas import tpu as pltpu
from jax.experimental.pallas import tpu_sc as plsc

EMBED = 64
SCALE = float(EMBED) ** 0.5
LANES = 16

_info = plsc.get_sparse_core_info()
NC, NS = _info.num_cores, _info.num_subcores
NW = NC * NS

CHUNK = 512
SUB = 128
NSUB = CHUNK // SUB


def _body(table_hbm, idx_hbm, out_hbm, idx_v, rows_v, sem):
    wid = lax.axis_index("s") * NC + lax.axis_index("c")
    n_rows_total = out_hbm.shape[0]
    per_w = n_rows_total // NW
    n_chunks = per_w // CHUNK
    base_row = wid * per_w

    def chunk_body(c, _):
        row0 = base_row + c * CHUNK
        pltpu.sync_copy(idx_hbm.at[pl.ds(row0, CHUNK)], idx_v)

        handles = []
        for j in range(NSUB):
            handles.append(
                pltpu.async_copy(
                    table_hbm.at[idx_v.at[pl.ds(j * SUB, SUB)]],
                    rows_v.at[pl.ds(j * SUB, SUB)],
                    sem,
                )
            )
        for h in handles:
            h.wait()

        NP = EMBED // LANES
        QUAD = 4

        def group_body(g, _):
            iv = idx_v[pl.ds(g * LANES, LANES)]
            m16 = jnp.where(iv != 0, jnp.float32(SCALE), jnp.float32(0.0))
            base = g * LANES
            for q in range(LANES // QUAD):
                rs = [base + q * QUAD + i for i in range(QUAD)]
                ms = [jnp.full((LANES,), m16[q * QUAD + i]) for i in range(QUAD)]
                loads = [
                    rows_v[r, pl.ds(p * LANES, LANES)]
                    for r in rs
                    for p in range(NP)
                ]
                outs = [
                    loads[i * NP + p] * ms[i]
                    for i in range(QUAD)
                    for p in range(NP)
                ]
                for i, r in enumerate(rs):
                    for p in range(NP):
                        rows_v[r, pl.ds(p * LANES, LANES)] = outs[i * NP + p]
            return _

        lax.fori_loop(0, CHUNK // LANES, group_body, None)

        pltpu.sync_copy(rows_v, out_hbm.at[pl.ds(row0, CHUNK)])
        return _

    lax.fori_loop(0, n_chunks, chunk_body, None)


def kernel(inputs, shared_weights):
    b, s = inputs.shape
    n = b * s
    idx_flat = inputs.reshape(n)

    mesh = plsc.VectorSubcoreMesh(core_axis_name="c", subcore_axis_name="s")
    out = pl.kernel(
        _body,
        out_type=jax.ShapeDtypeStruct((n, EMBED), jnp.float32),
        mesh=mesh,
        compiler_params=pltpu.CompilerParams(use_tc_tiling_on_sc=False),
        scratch_types=[
            pltpu.VMEM((CHUNK,), jnp.int32),
            pltpu.VMEM((CHUNK, EMBED), jnp.float32),
            pltpu.SemaphoreType.DMA,
        ],
    )(shared_weights, idx_flat)
    return out.reshape(b, s, EMBED)

# --- scband reference (transcript-rebuilt; emitter-appended) ---
"""Pipeline reference for scband-word-embedding-85504208929403 (READ-ONLY COPY).

The authoritative reference and input builder live on the scoring server;
editing this copy changes nothing except your own understanding.
"""

import jax, jax.numpy as jnp
import numpy as np

VOCAB = 1000000
EMBED = 64


def setup_inputs(seed: int = 0) -> dict:
    key = jax.random.key(seed)
    k1, k2 = jax.random.split(key)
    inputs = jax.random.randint(k1, (4096, 200), 0, VOCAB, dtype=jnp.int32)
    shared_weights = jax.random.normal(k2, (VOCAB, EMBED), dtype=jnp.float32) * (EMBED ** -0.5)
    return {"inputs": inputs, "shared_weights": shared_weights}


def reference(inputs, shared_weights):
    # mask out pad positions (pad_id checked as 0 per original call())
    mask = jnp.not_equal(inputs, 0).astype(jnp.float32)
    embeddings = jnp.take(shared_weights, inputs, axis=0)
    embeddings = embeddings * jnp.expand_dims(mask, -1)
    embeddings = embeddings * (EMBED ** 0.5)
    return embeddings

if __name__ == "__main__":
    import jax
    _d = setup_inputs()
    print(jax.jit(kernel)(*tuple(_d.values())))

</pallas_src>

<mosaic_0001>
#map = affine_map<(d0, d1) -> (0, 0)>
#map1 = affine_map<(d0, d1) -> (0)>
module attributes {stable_mosaic.version = 14 : i64} {
  func.func @_body(%arg0: i32, %arg1: i32, %arg2: memref<1000000x64xf32, #tpu.memory_space<hbm>>, %arg3: memref<819200xi32, #tpu.memory_space<hbm>>, %arg4: memref<819200x64xf32, #tpu.memory_space<hbm>>, %arg5: memref<512xi32, #tpu.memory_space<vmem>>, %arg6: memref<512x64xf32, #tpu.memory_space<vmem>>, %arg7: memref<!tpu.dma_semaphore, #tpu.memory_space<semaphore_mem>>) attributes {dimension_semantics = [#tpu.dimension_semantics<core_parallel>, #tpu.dimension_semantics<subcore_parallel>], iteration_bounds = array<i64: 2, 16>, scalar_prefetch = 0 : i64, scratch_operands = 3 : i64, tpu.core_type = #tpu.core_type<sc_vector_subcore>, window_params = [{transform_indices = #map}, {transform_indices = #map1}, {transform_indices = #map}]} {
    %mul3A = arith.constant 2 : i32
    %mul3A_0 = arith.muli %arg1, %mul3A : i32
    %add3A = arith.addi %mul3A_0, %arg0 : i32
    %mul3A_1 = arith.constant 25600 : i32
    %mul3A_2 = arith.muli %add3A, %mul3A_1 : i32
    %scan3A = arith.constant 0 : i32
    %scan3A_3 = arith.constant 50 : i32
    %scan3A_4 = arith.addi %scan3A, %scan3A_3 : i32
    %scan3A_5 = arith.constant 1 : i32
    scf.for %scan3A_7 = %scan3A to %scan3A_4 step %scan3A_5  : i32 {
      %mul3A_8 = arith.constant 512 : i32
      %mul3A_9 = arith.muli %scan3A_7, %mul3A_8 : i32
      %add3A_10 = arith.addi %mul3A_2, %mul3A_9 : i32
      "tpu.region"() ({
        %run_scoped3A = tpu.sem_alloc : memref<!tpu.dma_semaphore, #tpu.memory_space<semaphore_mem>>
        %dma_start3A_78 = tpu.memref_slice %arg3[%add3A_10] : memref<819200xi32, #tpu.memory_space<hbm>> -> memref<512xi32, #tpu.memory_space<hbm>>
        %dma_start3A_79 = tpu.memref_slice %arg3[%add3A_10] : memref<819200xi32, #tpu.memory_space<hbm>> -> memref<512xi32, #tpu.memory_space<hbm>>
        tpu.enqueue_dma source(%dma_start3A_79 : memref<512xi32, #tpu.memory_space<hbm>>) target(%arg5 : memref<512xi32, #tpu.memory_space<vmem>>) target_semaphore(%run_scoped3A : memref<!tpu.dma_semaphore, #tpu.memory_space<semaphore_mem>>)
        %dma_wait3A_80 = tpu.memref_slice %arg3[%add3A_10] : memref<819200xi32, #tpu.memory_space<hbm>> -> memref<512xi32, #tpu.memory_space<hbm>>
        %dma_wait3A_81 = tpu.memref_slice %arg3[%add3A_10] : memref<819200xi32, #tpu.memory_space<hbm>> -> memref<512xi32, #tpu.memory_space<hbm>>
        tpu.wait_dma2 semaphore(%run_scoped3A : memref<!tpu.dma_semaphore, #tpu.memory_space<semaphore_mem>>) src(%dma_wait3A_81 : memref<512xi32, #tpu.memory_space<hbm>>) dst(%arg5 : memref<512xi32, #tpu.memory_space<vmem>>)
        tpu.yield
      }) : () -> ()
      %dma_start3A = arith.constant 0 : i32
      %dma_start3A_11 = arith.constant 0 : i32
      %dma_start3A_12 = tpu.memref_slice %arg6[%dma_start3A, %dma_start3A_11] : memref<512x64xf32, #tpu.memory_space<vmem>> -> memref<128x64xf32, #tpu.memory_space<vmem>>
      %dma_start3A_13 = arith.constant 0 : i32
      %dma_start3A_14 = tpu.memref_slice %arg5[%dma_start3A_13] : memref<512xi32, #tpu.memory_space<vmem>> -> memref<128xi32, #tpu.memory_space<vmem>>
      %dma_start3A_15 = arith.constant 0 : i32
      %dma_start3A_16 = arith.constant 0 : i32
      %dma_start3A_17 = tpu.memref_slice %arg2[%dma_start3A_15, %dma_start3A_16] : memref<1000000x64xf32, #tpu.memory_space<hbm>> -> memref<1000000x64xf32, #tpu.memory_space<hbm>>
      tpu.enqueue_indirect_dma source(%dma_start3A_17 : memref<1000000x64xf32, #tpu.memory_space<hbm>>) target(%dma_start3A_12 : memref<128x64xf32, #tpu.memory_space<vmem>>) offsets(%dma_start3A_14 : memref<128xi32, #tpu.memory_space<vmem>>) semaphore(%arg7 : memref<!tpu.dma_semaphore, #tpu.memory_space<semaphore_mem>>)
      %dma_start3A_18 = arith.constant 128 : i32
      %dma_start3A_19 = arith.constant 0 : i32
      %dma_start3A_20 = tpu.memref_slice %arg6[%dma_start3A_18, %dma_start3A_19] : memref<512x64xf32, #tpu.memory_space<vmem>> -> memref<128x64xf32, #tpu.memory_space<vmem>>
      %dma_start3A_21 = arith.constant 128 : i32
      %dma_start3A_22 = tpu.memref_slice %arg5[%dma_start3A_21] : memref<512xi32, #tpu.memory_space<vmem>> -> memref<128xi32, #tpu.memory_space<vmem>>
      %dma_start3A_23 = arith.constant 0 : i32
      %dma_start3A_24 = arith.constant 0 : i32
      %dma_start3A_25 = tpu.memref_slice %arg2[%dma_start3A_23, %dma_start3A_24] : memref<1000000x64xf32, #tpu.memory_space<hbm>> -> memref<1000000x64xf32, #tpu.memory_space<hbm>>
      tpu.enqueue_indirect_dma source(%dma_start3A_25 : memref<1000000x64xf32, #tpu.memory_space<hbm>>) target(%dma_start3A_20 : memref<128x64xf32, #tpu.memory_space<vmem>>) offsets(%dma_start3A_22 : memref<128xi32, #tpu.memory_space<vmem>>) semaphore(%arg7 : memref<!tpu.dma_semaphore, #tpu.memory_space<semaphore_mem>>)
      %dma_start3A_26 = arith.constant 256 : i32
      %dma_start3A_27 = arith.constant 0 : i32
      %dma_start3A_28 = tpu.memref_slice %arg6[%dma_start3A_26, %dma_start3A_27] : memref<512x64xf32, #tpu.memory_space<vmem>> -> memref<128x64xf32, #tpu.memory_space<vmem>>
      %dma_start3A_29 = arith.constant 256 : i32
      %dma_start3A_30 = tpu.memref_slice %arg5[%dma_start3A_29] : memref<512xi32, #tpu.memory_space<vmem>> -> memref<128xi32, #tpu.memory_space<vmem>>
      %dma_start3A_31 = arith.constant 0 : i32
      %dma_start3A_32 = arith.constant 0 : i32
      %dma_start3A_33 = tpu.memref_slice %arg2[%dma_start3A_31, %dma_start3A_32] : memref<1000000x64xf32, #tpu.memory_space<hbm>> -> memref<1000000x64xf32, #tpu.memory_space<hbm>>
      tpu.enqueue_indirect_dma source(%dma_start3A_33 : memref<1000000x64xf32, #tpu.memory_space<hbm>>) target(%dma_start3A_28 : memref<128x64xf32, #tpu.memory_space<vmem>>) offsets(%dma_start3A_30 : memref<128xi32, #tpu.memory_space<vmem>>) semaphore(%arg7 : memref<!tpu.dma_semaphore, #tpu.memory_space<semaphore_mem>>)
      %dma_start3A_34 = arith.constant 384 : i32
      %dma_start3A_35 = arith.constant 0 : i32
      %dma_start3A_36 = tpu.memref_slice %arg6[%dma_start3A_34, %dma_start3A_35] : memref<512x64xf32, #tpu.memory_space<vmem>> -> memref<128x64xf32, #tpu.memory_space<vmem>>
      %dma_start3A_37 = arith.constant 384 : i32
      %dma_start3A_38 = tpu.memref_slice %arg5[%dma_start3A_37] : memref<512xi32, #tpu.memory_space<vmem>> -> memref<128xi32, #tpu.memory_space<vmem>>
      %dma_start3A_39 = arith.constant 0 : i32
      %dma_start3A_40 = arith.constant 0 : i32
      %dma_start3A_41 = tpu.memref_slice %arg2[%dma_start3A_39, %dma_start3A_40] : memref<1000000x64xf32, #tpu.memory_space<hbm>> -> memref<1000000x64xf32, #tpu.memory_space<hbm>>
      tpu.enqueue_indirect_dma source(%dma_start3A_41 : memref<1000000x64xf32, #tpu.memory_space<hbm>>) target(%dma_start3A_36 : memref<128x64xf32, #tpu.memory_space<vmem>>) offsets(%dma_start3A_38 : memref<128xi32, #tpu.memory_space<vmem>>) semaphore(%arg7 : memref<!tpu.dma_semaphore, #tpu.memory_space<semaphore_mem>>)
      %dma_wait3A = arith.constant 0 : i32
      %dma_wait3A_42 = arith.constant 0 : i32
      %dma_wait3A_43 = tpu.memref_slice %arg6[%dma_wait3A, %dma_wait3A_42] : memref<512x64xf32, #tpu.memory_space<vmem>> -> memref<128x64xf32, #tpu.memory_space<vmem>>
      %dma_wait3A_44 = arith.constant 0 : i32
      %dma_wait3A_45 = tpu.memref_slice %arg5[%dma_wait3A_44] : memref<512xi32, #tpu.memory_space<vmem>> -> memref<128xi32, #tpu.memory_space<vmem>>
      %dma_wait3A_46 = arith.constant 0 : i32
      %dma_wait3A_47 = arith.constant 0 : i32
      %dma_wait3A_48 = tpu.memref_slice %arg2[%dma_wait3A_46, %dma_wait3A_47] : memref<1000000x64xf32, #tpu.memory_space<hbm>> -> memref<1000000x64xf32, #tpu.memory_space<hbm>>
      tpu.wait_indirect_dma semaphore(%arg7 : memref<!tpu.dma_semaphore, #tpu.memory_space<semaphore_mem>>) src(%dma_wait3A_48 : memref<1000000x64xf32, #tpu.memory_space<hbm>>) dst(%dma_wait3A_43 : memref<128x64xf32, #tpu.memory_space<vmem>>)
      %dma_wait3A_49 = arith.constant 128 : i32
      %dma_wait3A_50 = arith.constant 0 : i32
      %dma_wait3A_51 = tpu.memref_slice %arg6[%dma_wait3A_49, %dma_wait3A_50] : memref<512x64xf32, #tpu.memory_space<vmem>> -> memref<128x64xf32, #tpu.memory_space<vmem>>
      %dma_wait3A_52 = arith.constant 128 : i32
      %dma_wait3A_53 = tpu.memref_slice %arg5[%dma_wait3A_52] : memref<512xi32, #tpu.memory_space<vmem>> -> memref<128xi32, #tpu.memory_space<vmem>>
      %dma_wait3A_54 = arith.constant 0 : i32
      %dma_wait3A_55 = arith.constant 0 : i32
      %dma_wait3A_56 = tpu.memref_slice %arg2[%dma_wait3A_54, %dma_wait3A_55] : memref<1000000x64xf32, #tpu.memory_space<hbm>> -> memref<1000000x64xf32, #tpu.memory_space<hbm>>
      tpu.wait_indirect_dma semaphore(%arg7 : memref<!tpu.dma_semaphore, #tpu.memory_space<semaphore_mem>>) src(%dma_wait3A_56 : memref<1000000x64xf32, #tpu.memory_space<hbm>>) dst(%dma_wait3A_51 : memref<128x64xf32, #tpu.memory_space<vmem>>)
      %dma_wait3A_57 = arith.constant 256 : i32
      %dma_wait3A_58 = arith.constant 0 : i32
      %dma_wait3A_59 = tpu.memref_slice %arg6[%dma_wait3A_57, %dma_wait3A_58] : memref<512x64xf32, #tpu.memory_space<vmem>> -> memref<128x64xf32, #tpu.memory_space<vmem>>
      %dma_wait3A_60 = arith.constant 256 : i32
      %dma_wait3A_61 = tpu.memref_slice %arg5[%dma_wait3A_60] : memref<512xi32, #tpu.memory_space<vmem>> -> memref<128xi32, #tpu.memory_space<vmem>>
      %dma_wait3A_62 = arith.constant 0 : i32
      %dma_wait3A_63 = arith.constant 0 : i32
      %dma_wait3A_64 = tpu.memref_slice %arg2[%dma_wait3A_62, %dma_wait3A_63] : memref<1000000x64xf32, #tpu.memory_space<hbm>> -> memref<1000000x64xf32, #tpu.memory_space<hbm>>
      tpu.wait_indirect_dma semaphore(%arg7 : memref<!tpu.dma_semaphore, #tpu.memory_space<semaphore_mem>>) src(%dma_wait3A_64 : memref<1000000x64xf32, #tpu.memory_space<hbm>>) dst(%dma_wait3A_59 : memref<128x64xf32, #tpu.memory_space<vmem>>)
      %dma_wait3A_65 = arith.constant 384 : i32
      %dma_wait3A_66 = arith.constant 0 : i32
      %dma_wait3A_67 = tpu.memref_slice %arg6[%dma_wait3A_65, %dma_wait3A_66] : memref<512x64xf32, #tpu.memory_space<vmem>> -> memref<128x64xf32, #tpu.memory_space<vmem>>
      %dma_wait3A_68 = arith.constant 384 : i32
      %dma_wait3A_69 = tpu.memref_slice %arg5[%dma_wait3A_68] : memref<512xi32, #tpu.memory_space<vmem>> -> memref<128xi32, #tpu.memory_space<vmem>>
      %dma_wait3A_70 = arith.constant 0 : i32
      %dma_wait3A_71 = arith.constant 0 : i32
      %dma_wait3A_72 = tpu.memref_slice %arg2[%dma_wait3A_70, %dma_wait3A_71] : memref<1000000x64xf32, #tpu.memory_space<hbm>> -> memref<1000000x64xf32, #tpu.memory_space<hbm>>
      tpu.wait_indirect_dma semaphore(%arg7 : memref<!tpu.dma_semaphore, #tpu.memory_space<semaphore_mem>>) src(%dma_wait3A_72 : memref<1000000x64xf32, #tpu.memory_space<hbm>>) dst(%dma_wait3A_67 : memref<128x64xf32, #tpu.memory_space<vmem>>)
      %scan3A_73 = arith.constant 0 : i32
      %scan3A_74 = arith.constant 32 : i32
      %scan3A_75 = arith.addi %scan3A_73, %scan3A_74 : i32
      %scan3A_76 = arith.constant 1 : i32
      scf.for %scan3A_78 = %scan3A_73 to %scan3A_75 step %scan3A_76  : i32 {
        %mul3A_79 = arith.constant 16 : i32
        %mul3A_80 = arith.muli %scan3A_78, %mul3A_79 : i32
        %get3A = arith.index_cast %mul3A_80 : i32 to index
        %get3A_81 = tpu.vector_load %arg5[%get3A] {strides = array<i32>} : memref<512xi32, #tpu.memory_space<vmem>>, vector<16xi32>,
        %get3A_82 = vector.shape_cast %get3A_81 : vector<16xi32> to vector<16xi32>
        %ne3A = arith.constant 0 : i32
        %ne3A_83 = vector.broadcast %ne3A : i32 to vector<16xi32>
        %ne3A_84 = arith.cmpi ne, %get3A_82, %ne3A_83 : vector<16xi32>
        %jit3A = arith.constant 8.000000e+00 : f32
        %jit3A_85 = arith.constant 0.000000e+00 : f32
        %broadcast_in_dim3A = vector.broadcast %jit3A : f32 to vector<16xf32>
        %broadcast_in_dim3A_86 = vector.broadcast %jit3A_85 : f32 to vector<16xf32>
        %select_n3A = arith.select %ne3A_84, %broadcast_in_dim3A, %broadcast_in_dim3A_86 : vector<16xi1>, vector<16xf32>
        %mul3A_87 = arith.constant 16 : i32
        %mul3A_88 = arith.muli %scan3A_78, %mul3A_87 : i32
        %add3A_89 = arith.constant 0 : i32
        %add3A_90 = arith.addi %mul3A_88, %add3A_89 : i32
        %add3A_91 = arith.constant 0 : i32
        %add3A_92 = arith.addi %add3A_90, %add3A_91 : i32
        %add3A_93 = arith.constant 0 : i32
        %add3A_94 = arith.addi %mul3A_88, %add3A_93 : i32
        %add3A_95 = arith.constant 1 : i32
        %add3A_96 = arith.addi %add3A_94, %add3A_95 : i32
        %add3A_97 = arith.constant 0 : i32
        %add3A_98 = arith.addi %mul3A_88, %add3A_97 : i32
        %add3A_99 = arith.constant 2 : i32
        %add3A_100 = arith.addi %add3A_98, %add3A_99 : i32
        %add3A_101 = arith.constant 0 : i32
        %add3A_102 = arith.addi %mul3A_88, %add3A_101 : i32
        %add3A_103 = arith.constant 3 : i32
        %add3A_104 = arith.addi %add3A_102, %add3A_103 : i32
        %slice3A = vector.extract_strided_slice %select_n3A {offsets = [0], sizes = [1], strides = [1]} : vector<16xf32> to vector<1xf32>
        %squeeze3A = vector.extract %slice3A[0] : f32 from vector<1xf32>
        %broadcast_in_dim3A_105 = vector.broadcast %squeeze3A : f32 to vector<16xf32>
        %slice3A_106 = vector.extract_strided_slice %select_n3A {offsets = [1], sizes = [1], strides = [1]} : vector<16xf32> to vector<1xf32>
        %squeeze3A_107 = vector.extract %slice3A_106[0] : f32 from vector<1xf32>
        %broadcast_in_dim3A_108 = vector.broadcast %squeeze3A_107 : f32 to vector<16xf32>
        %slice3A_109 = vector.extract_strided_slice %select_n3A {offsets = [2], sizes = [1], strides = [1]} : vector<16xf32> to vector<1xf32>
        %squeeze3A_110 = vector.extract %slice3A_109[0] : f32 from vector<1xf32>
        %broadcast_in_dim3A_111 = vector.broadcast %squeeze3A_110 : f32 to vector<16xf32>
        %slice3A_112 = vector.extract_strided_slice %select_n3A {offsets = [3], sizes = [1], strides = [1]} : vector<16xf32> to vector<1xf32>
        %squeeze3A_113 = vector.extract %slice3A_112[0] : f32 from vector<1xf32>
        %broadcast_in_dim3A_114 = vector.broadcast %squeeze3A_113 : f32 to vector<16xf32>
        %get3A_115 = arith.index_cast %add3A_92 : i32 to index
        %get3A_116 = arith.constant 0 : index
        %get3A_117 = tpu.vector_load %arg6[%get3A_115, %get3A_116] {strides = array<i32>} : memref<512x64xf32, #tpu.memory_space<vmem>>, vector<1x16xf32>,
        %get3A_118 = vector.shape_cast %get3A_117 : vector<1x16xf32> to vector<16xf32>
        %get3A_119 = arith.index_cast %add3A_92 : i32 to index
        %get3A_120 = arith.constant 16 : index
        %get3A_121 = tpu.vector_load %arg6[%get3A_119, %get3A_120] {strides = array<i32>} : memref<512x64xf32, #tpu.memory_space<vmem>>, vector<1x16xf32>,
        %get3A_122 = vector.shape_cast %get3A_121 : vector<1x16xf32> to vector<16xf32>
        %get3A_123 = arith.index_cast %add3A_92 : i32 to index
        %get3A_124 = arith.constant 32 : index
        %get3A_125 = tpu.vector_load %arg6[%get3A_123, %get3A_124] {strides = array<i32>} : memref<512x64xf32, #tpu.memory_space<vmem>>, vector<1x16xf32>,
        %get3A_126 = vector.shape_cast %get3A_125 : vector<1x16xf32> to vector<16xf32>
        %get3A_127 = arith.index_cast %add3A_92 : i32 to index
        %get3A_128 = arith.constant 48 : index
        %get3A_129 = tpu.vector_load %arg6[%get3A_127, %get3A_128] {strides = array<i32>} : memref<512x64xf32, #tpu.memory_space<vmem>>, vector<1x16xf32>,
        %get3A_130 = vector.shape_cast %get3A_129 : vector<1x16xf32> to vector<16xf32>
        %get3A_131 = arith.index_cast %add3A_96 : i32 to index
        %get3A_132 = arith.constant 0 : index
        %get3A_133 = tpu.vector_load %arg6[%get3A_131, %get3A_132] {strides = array<i32>} : memref<512x64xf32, #tpu.memory_space<vmem>>, vector<1x16xf32>,
        %get3A_134 = vector.shape_cast %get3A_133 : vector<1x16xf32> to vector<16xf32>
        %get3A_135 = arith.index_cast %add3A_96 : i32 to index
        %get3A_136 = arith.constant 16 : index
        %get3A_137 = tpu.vector_load %arg6[%get3A_135, %get3A_136] {strides = array<i32>} : memref<512x64xf32, #tpu.memory_space<vmem>>, vector<1x16xf32>,
        %get3A_138 = vector.shape_cast %get3A_137 : vector<1x16xf32> to vector<16xf32>
        %get3A_139 = arith.index_cast %add3A_96 : i32 to index
        %get3A_140 = arith.constant 32 : index
        %get3A_141 = tpu.vector_load %arg6[%get3A_139, %get3A_140] {strides = array<i32>} : memref<512x64xf32, #tpu.memory_space<vmem>>, vector<1x16xf32>,
        %get3A_142 = vector.shape_cast %get3A_141 : vector<1x16xf32> to vector<16xf32>
        %get3A_143 = arith.index_cast %add3A_96 : i32 to index
        %get3A_144 = arith.constant 48 : index
        %get3A_145 = tpu.vector_load %arg6[%get3A_143, %get3A_144] {strides = array<i32>} : memref<512x64xf32, #tpu.memory_space<vmem>>, vector<1x16xf32>,
        %get3A_146 = vector.shape_cast %get3A_145 : vector<1x16xf32> to vector<16xf32>
        %get3A_147 = arith.index_cast %add3A_100 : i32 to index
        %get3A_148 = arith.constant 0 : index
        %get3A_149 = tpu.vector_load %arg6[%get3A_147, %get3A_148] {strides = array<i32>} : memref<512x64xf32, #tpu.memory_space<vmem>>, vector<1x16xf32>,
        %get3A_150 = vector.shape_cast %get3A_149 : vector<1x16xf32> to vector<16xf32>
        %get3A_151 = arith.index_cast %add3A_100 : i32 to index
        %get3A_152 = arith.constant 16 : index
        %get3A_153 = tpu.vector_load %arg6[%get3A_151, %get3A_152] {strides = array<i32>} : memref<512x64xf32, #tpu.memory_space<vmem>>, vector<1x16xf32>,
        %get3A_154 = vector.shape_cast %get3A_153 : vector<1x16xf32> to vector<16xf32>
        %get3A_155 = arith.index_cast %add3A_100 : i32 to index
        %get3A_156 = arith.constant 32 : index
        %get3A_157 = tpu.vector_load %arg6[%get3A_155, %get3A_156] {strides = array<i32>} : memref<512x64xf32, #tpu.memory_space<vmem>>, vector<1x16xf32>,
        %get3A_158 = vector.shape_cast %get3A_157 : vector<1x16xf32> to vector<16xf32>
        %get3A_159 = arith.index_cast %add3A_100 : i32 to index
        %get3A_160 = arith.constant 48 : index
        %get3A_161 = tpu.vector_load %arg6[%get3A_159, %get3A_160] {strides = array<i32>} : memref<512x64xf32, #tpu.memory_space<vmem>>, vector<1x16xf32>,
        %get3A_162 = vector.shape_cast %get3A_161 : vector<1x16xf32> to vector<16xf32>
        %get3A_163 = arith.index_cast %add3A_104 : i32 to index
        %get3A_164 = arith.constant 0 : index
        %get3A_165 = tpu.vector_load %arg6[%get3A_163, %get3A_164] {strides = array<i32>} : memref<512x64xf32, #tpu.memory_space<vmem>>, vector<1x16xf32>,
        %get3A_166 = vector.shape_cast %get3A_165 : vector<1x16xf32> to vector<16xf32>
        %get3A_167 = arith.index_cast %add3A_104 : i32 to index
        %get3A_168 = arith.constant 16 : index
        %get3A_169 = tpu.vector_load %arg6[%get3A_167, %get3A_168] {strides = array<i32>} : memref<512x64xf32, #tpu.memory_space<vmem>>, vector<1x16xf32>,
        %get3A_170 = vector.shape_cast %get3A_169 : vector<1x16xf32> to vector<16xf32>
        %get3A_171 = arith.index_cast %add3A_104 : i32 to index
        %get3A_172 = arith.constant 32 : index
        %get3A_173 = tpu.vector_load %arg6[%get3A_171, %get3A_172] {strides = array<i32>} : memref<512x64xf32, #tpu.memory_space<vmem>>, vector<1x16xf32>,
        %get3A_174 = vector.shape_cast %get3A_173 : vector<1x16xf32> to vector<16xf32>
        %get3A_175 = arith.index_cast %add3A_104 : i32 to index
        %get3A_176 = arith.constant 48 : index
        %get3A_177 = tpu.vector_load %arg6[%get3A_175, %get3A_176] {strides = array<i32>} : memref<512x64xf32, #tpu.memory_space<vmem>>, vector<1x16xf32>,
        %get3A_178 = vector.shape_cast %get3A_177 : vector<1x16xf32> to vector<16xf32>
        %mul3A_179 = arith.mulf %get3A_118, %broadcast_in_dim3A_105 : vector<16xf32>
        %mul3A_180 = arith.mulf %get3A_122, %broadcast_in_dim3A_105 : vector<16xf32>
        %mul3A_181 = arith.mulf %get3A_126, %broadcast_in_dim3A_105 : vector<16xf32>
        %mul3A_182 = arith.mulf %get3A_130, %broadcast_in_dim3A_105 : vector<16xf32>
        %mul3A_183 = arith.mulf %get3A_134, %broadcast_in_dim3A_108 : vector<16xf32>
        %mul3A_184 = arith.mulf %get3A_138, %broadcast_in_dim3A_108 : vector<16xf32>
        %mul3A_185 = arith.mulf %get3A_142, %broadcast_in_dim3A_108 : vector<16xf32>
        %mul3A_186 = arith.mulf %get3A_146, %broadcast_in_dim3A_108 : vector<16xf32>
        %mul3A_187 = arith.mulf %get3A_150, %broadcast_in_dim3A_111 : vector<16xf32>
        %mul3A_188 = arith.mulf %get3A_154, %broadcast_in_dim3A_111 : vector<16xf32>
        %mul3A_189 = arith.mulf %get3A_158, %broadcast_in_dim3A_111 : vector<16xf32>
        %mul3A_190 = arith.mulf %get3A_162, %broadcast_in_dim3A_111 : vector<16xf32>
        %mul3A_191 = arith.mulf %get3A_166, %broadcast_in_dim3A_114 : vector<16xf32>
        %mul3A_192 = arith.mulf %get3A_170, %broadcast_in_dim3A_114 : vector<16xf32>
        %mul3A_193 = arith.mulf %get3A_174, %broadcast_in_dim3A_114 : vector<16xf32>
        %mul3A_194 = arith.mulf %get3A_178, %broadcast_in_dim3A_114 : vector<16xf32>
        %swap3A = arith.index_cast %add3A_92 : i32 to index
        %swap3A_195 = arith.constant 0 : index
        %swap3A_196 = tpu.vector_load %arg6[%swap3A, %swap3A_195] {strides = array<i32>} : memref<512x64xf32, #tpu.memory_space<vmem>>, vector<1x16xf32>,
        %swap3A_197 = vector.shape_cast %swap3A_196 : vector<1x16xf32> to vector<16xf32>
        %swap3A_198 = vector.shape_cast %mul3A_179 : vector<16xf32> to vector<1x16xf32>
        tpu.vector_store %arg6[%swap3A, %swap3A_195], %swap3A_198 {strides = array<i32>} : memref<512x64xf32, #tpu.memory_space<vmem>>, vector<1x16xf32>,
        %swap3A_199 = arith.index_cast %add3A_92 : i32 to index
        %swap3A_200 = arith.constant 16 : index
        %swap3A_201 = tpu.vector_load %arg6[%swap3A_199, %swap3A_200] {strides = array<i32>} : memref<512x64xf32, #tpu.memory_space<vmem>>, vector<1x16xf32>,
        %swap3A_202 = vector.shape_cast %swap3A_201 : vector<1x16xf32> to vector<16xf32>
        %swap3A_203 = vector.shape_cast %mul3A_180 : vector<16xf32> to vector<1x16xf32>
        tpu.vector_store %arg6[%swap3A_199, %swap3A_200], %swap3A_203 {strides = array<i32>} : memref<512x64xf32, #tpu.memory_space<vmem>>, vector<1x16xf32>,
        %swap3A_204 = arith.index_cast %add3A_92 : i32 to index
        %swap3A_205 = arith.constant 32 : index
        %swap3A_206 = tpu.vector_load %arg6[%swap3A_204, %swap3A_205] {strides = array<i32>} : memref<512x64xf32, #tpu.memory_space<vmem>>, vector<1x16xf32>,
        %swap3A_207 = vector.shape_cast %swap3A_206 : vector<1x16xf32> to vector<16xf32>
        %swap3A_208 = vector.shape_cast %mul3A_181 : vector<16xf32> to vector<1x16xf32>
        tpu.vector_store %arg6[%swap3A_204, %swap3A_205], %swap3A_208 {strides = array<i32>} : memref<512x64xf32, #tpu.memory_space<vmem>>, vector<1x16xf32>,
        %swap3A_209 = arith.index_cast %add3A_92 : i32 to index
        %swap3A_210 = arith.constant 48 : index
        %swap3A_211 = tpu.vector_load %arg6[%swap3A_209, %swap3A_210] {strides = array<i32>} : memref<512x64xf32, #tpu.memory_space<vmem>>, vector<1x16xf32>,
        %swap3A_212 = vector.shape_cast %swap3A_211 : vector<1x16xf32> to vector<16xf32>
        %swap3A_213 = vector.shape_cast %mul3A_182 : vector<16xf32> to vector<1x16xf32>
        tpu.vector_store %arg6[%swap3A_209, %swap3A_210], %swap3A_213 {strides = array<i32>} : memref<512x64xf32, #tpu.memory_space<vmem>>, vector<1x16xf32>,
        %swap3A_214 = arith.index_cast %add3A_96 : i32 to index
        %swap3A_215 = arith.constant 0 : index
        %swap3A_216 = tpu.vector_load %arg6[%swap3A_214, %swap3A_215] {strides = array<i32>} : memref<512x64xf32, #tpu.memory_space<vmem>>, vector<1x16xf32>,
        %swap3A_217 = vector.shape_cast %swap3A_216 : vector<1x16xf32> to vector<16xf32>
        %swap3A_218 = vector.shape_cast %mul3A_183 : vector<16xf32> to vector<1x16xf32>
        tpu.vector_store %arg6[%swap3A_214, %swap3A_215], %swap3A_218 {strides = array<i32>} : memref<512x64xf32, #tpu.memory_space<vmem>>, vector<1x16xf32>,
        %swap3A_219 = arith.index_cast %add3A_96 : i32 to index
        %swap3A_220 = arith.constant 16 : index
        %swap3A_221 = tpu.vector_load %arg6[%swap3A_219, %swap3A_220] {strides = array<i32>} : memref<512x64xf32, #tpu.memory_space<vmem>>, vector<1x16xf32>,
        %swap3A_222 = vector.shape_cast %swap3A_221 : vector<1x16xf32> to vector<16xf32>
        %swap3A_223 = vector.shape_cast %mul3A_184 : vector<16xf32> to vector<1x16xf32>
        tpu.vector_store %arg6[%swap3A_219, %swap3A_220], %swap3A_223 {strides = array<i32>} : memref<512x64xf32, #tpu.memory_space<vmem>>, vector<1x16xf32>,
        %swap3A_224 = arith.index_cast %add3A_96 : i32 to index
        %swap3A_225 = arith.constant 32 : index
        %swap3A_226 = tpu.vector_load %arg6[%swap3A_224, %swap3A_225] {strides = array<i32>} : memref<512x64xf32, #tpu.memory_space<vmem>>, vector<1x16xf32>,
        %swap3A_227 = vector.shape_cast %swap3A_226 : vector<1x16xf32> to vector<16xf32>
        %swap3A_228 = vector.shape_cast %mul3A_185 : vector<16xf32> to vector<1x16xf32>
        tpu.vector_store %arg6[%swap3A_224, %swap3A_225], %swap3A_228 {strides = array<i32>} : memref<512x64xf32, #tpu.memory_space<vmem>>, vector<1x16xf32>,
        %swap3A_229 = arith.index_cast %add3A_96 : i32 to index
        %swap3A_230 = arith.constant 48 : index
        %swap3A_231 = tpu.vector_load %arg6[%swap3A_229, %swap3A_230] {strides = array<i32>} : memref<512x64xf32, #tpu.memory_space<vmem>>, vector<1x16xf32>,
        %swap3A_232 = vector.shape_cast %swap3A_231 : vector<1x16xf32> to vector<16xf32>
        %swap3A_233 = vector.shape_cast %mul3A_186 : vector<16xf32> to vector<1x16xf32>
        tpu.vector_store %arg6[%swap3A_229, %swap3A_230], %swap3A_233 {strides = array<i32>} : memref<512x64xf32, #tpu.memory_space<vmem>>, vector<1x16xf32>,
        %swap3A_234 = arith.index_cast %add3A_100 : i32 to index
        %swap3A_235 = arith.constant 0 : index
        %swap3A_236 = tpu.vector_load %arg6[%swap3A_234, %swap3A_235] {strides = array<i32>} : memref<512x64xf32, #tpu.memory_space<vmem>>, vector<1x16xf32>,
        %swap3A_237 = vector.shape_cast %swap3A_236 : vector<1x16xf32> to vector<16xf32>
        %swap3A_238 = vector.shape_cast %mul3A_187 : vector<16xf32> to vector<1x16xf32>
        tpu.vector_store %arg6[%swap3A_234, %swap3A_235], %swap3A_238 {strides = array<i32>} : memref<512x64xf32, #tpu.memory_space<vmem>>, vector<1x16xf32>,
        %swap3A_239 = arith.index_cast %add3A_100 : i32 to index
        %swap3A_240 = arith.constant 16 : index
        %swap3A_241 = tpu.vector_load %arg6[%swap3A_239, %swap3A_240] {strides = array<i32>} : memref<512x64xf32, #tpu.memory_space<vmem>>, vector<1x16xf32>,
        %swap3A_242 = vector.shape_cast %swap3A_241 : vector<1x16xf32> to vector<16xf32>
        %swap3A_243 = vector.shape_cast %mul3A_188 : vector<16xf32> to vector<1x16xf32>
        tpu.vector_store %arg6[%swap3A_239, %swap3A_240], %swap3A_243 {strides = array<i32>} : memref<512x64xf32, #tpu.memory_space<vmem>>, vector<1x16xf32>,
        %swap3A_244 = arith.index_cast %add3A_100 : i32 to index
        %swap3A_245 = arith.constant 32 : index
        %swap3A_246 = tpu.vector_load %arg6[%swap3A_244, %swap3A_245] {strides = array<i32>} : memref<512x64xf32, #tpu.memory_space<vmem>>, vector<1x16xf32>,
        %swap3A_247 = vector.shape_cast %swap3A_246 : vector<1x16xf32> to vector<16xf32>
        %swap3A_248 = vector.shape_cast %mul3A_189 : vector<16xf32> to vector<1x16xf32>
        tpu.vector_store %arg6[%swap3A_244, %swap3A_245], %swap3A_248 {strides = array<i32>} : memref<512x64xf32, #tpu.memory_space<vmem>>, vector<1x16xf32>,
        %swap3A_249 = arith.index_cast %add3A_100 : i32 to index
        %swap3A_250 = arith.constant 48 : index
        %swap3A_251 = tpu.vector_load %arg6[%swap3A_249, %swap3A_250] {strides = array<i32>} : memref<512x64xf32, #tpu.memory_space<vmem>>, vector<1x16xf32>,
        %swap3A_252 = vector.shape_cast %swap3A_251 : vector<1x16xf32> to vector<16xf32>
        %swap3A_253 = vector.shape_cast %mul3A_190 : vector<16xf32> to vector<1x16xf32>
        tpu.vector_store %arg6[%swap3A_249, %swap3A_250], %swap3A_253 {strides = array<i32>} : memref<512x64xf32, #tpu.memory_space<vmem>>, vector<1x16xf32>,
        %swap3A_254 = arith.index_cast %add3A_104 : i32 to index
        %swap3A_255 = arith.constant 0 : index
        %swap3A_256 = tpu.vector_load %arg6[%swap3A_254, %swap3A_255] {strides = array<i32>} : memref<512x64xf32, #tpu.memory_space<vmem>>, vector<1x16xf32>,
        %swap3A_257 = vector.shape_cast %swap3A_256 : vector<1x16xf32> to vector<16xf32>
        %swap3A_258 = vector.shape_cast %mul3A_191 : vector<16xf32> to vector<1x16xf32>
        tpu.vector_store %arg6[%swap3A_254, %swap3A_255], %swap3A_258 {strides = array<i32>} : memref<512x64xf32, #tpu.memory_space<vmem>>, vector<1x16xf32>,
        %swap3A_259 = arith.index_cast %add3A_104 : i32 to index
        %swap3A_260 = arith.constant 16 : index
        %swap3A_261 = tpu.vector_load %arg6[%swap3A_259, %swap3A_260] {strides = array<i32>} : memref<512x64xf32, #tpu.memory_space<vmem>>, vector<1x16xf32>,
        %swap3A_262 = vector.shape_cast %swap3A_261 : vector<1x16xf32> to vector<16xf32>
        %swap3A_263 = vector.shape_cast %mul3A_192 : vector<16xf32> to vector<1x16xf32>
        tpu.vector_store %arg6[%swap3A_259, %swap3A_260], %swap3A_263 {strides = array<i32>} : memref<512x64xf32, #tpu.memory_space<vmem>>, vector<1x16xf32>,
        %swap3A_264 = arith.index_cast %add3A_104 : i32 to index
        %swap3A_265 = arith.constant 32 : index
        %swap3A_266 = tpu.vector_load %arg6[%swap3A_264, %swap3A_265] {strides = array<i32>} : memref<512x64xf32, #tpu.memory_space<vmem>>, vector<1x16xf32>,
        %swap3A_267 = vector.shape_cast %swap3A_266 : vector<1x16xf32> to vector<16xf32>
        %swap3A_268 = vector.shape_cast %mul3A_193 : vector<16xf32> to vector<1x16xf32>
        tpu.vector_store %arg6[%swap3A_264, %swap3A_265], %swap3A_268 {strides = array<i32>} : memref<512x64xf32, #tpu.memory_space<vmem>>, vector<1x16xf32>,
        %swap3A_269 = arith.index_cast %add3A_104 : i32 to index
        %swap3A_270 = arith.constant 48 : index
        %swap3A_271 = tpu.vector_load %arg6[%swap3A_269, %swap3A_270] {strides = array<i32>} : memref<512x64xf32, #tpu.memory_space<vmem>>, vector<1x16xf32>,
        %swap3A_272 = vector.shape_cast %swap3A_271 : vector<1x16xf32> to vector<16xf32>
        %swap3A_273 = vector.shape_cast %mul3A_194 : vector<16xf32> to vector<1x16xf32>
        tpu.vector_store %arg6[%swap3A_269, %swap3A_270], %swap3A_273 {strides = array<i32>} : memref<512x64xf32, #tpu.memory_space<vmem>>, vector<1x16xf32>,
        %add3A_274 = arith.constant 4 : i32
        %add3A_275 = arith.addi %mul3A_88, %add3A_274 : i32
        %add3A_276 = arith.constant 0 : i32
        %add3A_277 = arith.addi %add3A_275, %add3A_276 : i32
        %add3A_278 = arith.constant 4 : i32
        %add3A_279 = arith.addi %mul3A_88, %add3A_278 : i32
        %add3A_280 = arith.constant 1 : i32
        %add3A_281 = arith.addi %add3A_279, %add3A_280 : i32
        %add3A_282 = arith.constant 4 : i32
        %add3A_283 = arith.addi %mul3A_88, %add3A_282 : i32
        %add3A_284 = arith.constant 2 : i32
        %add3A_285 = arith.addi %add3A_283, %add3A_284 : i32
        %add3A_286 = arith.constant 4 : i32
        %add3A_287 = arith.addi %mul3A_88, %add3A_286 : i32
        %add3A_288 = arith.constant 3 : i32
        %add3A_289 = arith.addi %add3A_287, %add3A_288 : i32
        %slice3A_290 = vector.extract_strided_slice %select_n3A {offsets = [4], sizes = [1], strides = [1]} : vector<16xf32> to vector<1xf32>
        %squeeze3A_291 = vector.extract %slice3A_290[0] : f32 from vector<1xf32>
        %broadcast_in_dim3A_292 = vector.broadcast %squeeze3A_291 : f32 to vector<16xf32>
        %slice3A_293 = vector.extract_strided_slice %select_n3A {offsets = [5], sizes = [1], strides = [1]} : vector<16xf32> to vector<1xf32>
        %squeeze3A_294 = vector.extract %slice3A_293[0] : f32 from vector<1xf32>
        %broadcast_in_dim3A_295 = vector.broadcast %squeeze3A_294 : f32 to vector<16xf32>
        %slice3A_296 = vector.extract_strided_slice %select_n3A {offsets = [6], sizes = [1], strides = [1]} : vector<16xf32> to vector<1xf32>
        %squeeze3A_297 = vector.extract %slice3A_296[0] : f32 from vector<1xf32>
        %broadcast_in_dim3A_298 = vector.broadcast %squeeze3A_297 : f32 to vector<16xf32>
        %slice3A_299 = vector.extract_strided_slice %select_n3A {offsets = [7], sizes = [1], strides = [1]} : vector<16xf32> to vector<1xf32>
        %squeeze3A_300 = vector.extract %slice3A_299[0] : f32 from vector<1xf32>
        %broadcast_in_dim3A_301 = vector.broadcast %squeeze3A_300 : f32 to vector<16xf32>
        %get3A_302 = arith.index_cast %add3A_277 : i32 to index
        %get3A_303 = arith.constant 0 : index
        %get3A_304 = tpu.vector_load %arg6[%get3A_302, %get3A_303] {strides = array<i32>} : memref<512x64xf32, #tpu.memory_space<vmem>>, vector<1x16xf32>,
        %get3A_305 = vector.shape_cast %get3A_304 : vector<1x16xf32> to vector<16xf32>
        %get3A_306 = arith.index_cast %add3A_277 : i32 to index
        %get3A_307 = arith.constant 16 : index
        %get3A_308 = tpu.vector_load %arg6[%get3A_306, %get3A_307] {strides = array<i32>} : memref<512x64xf32, #tpu.memory_space<vmem>>, vector<1x16xf32>,
        %get3A_309 = vector.shape_cast %get3A_308 : vector<1x16xf32> to vector<16xf32>
        %get3A_310 = arith.index_cast %add3A_277 : i32 to index
        %get3A_311 = arith.constant 32 : index
        %get3A_312 = tpu.vector_load %arg6[%get3A_310, %get3A_311] {strides = array<i32>} : memref<512x64xf32, #tpu.memory_space<vmem>>, vector<1x16xf32>,
        %get3A_313 = vector.shape_cast %get3A_312 : vector<1x16xf32> to vector<16xf32>
        %get3A_314 = arith.index_cast %add3A_277 : i32 to index
        %get3A_315 = arith.constant 48 : index
        %get3A_316 = tpu.vector_load %arg6[%get3A_314, %get3A_315] {strides = array<i32>} : memref<512x64xf32, #tpu.memory_space<vmem>>, vector<1x16xf32>,
        %get3A_317 = vector.shape_cast %get3A_316 : vector<1x16xf32> to vector<16xf32>
        %get3A_318 = arith.index_cast %add3A_281 : i32 to index
        %get3A_319 = arith.constant 0 : index
        %get3A_320 = tpu.vector_load %arg6[%get3A_318, %get3A_319] {strides = array<i32>} : memref<512x64xf32, #tpu.memory_space<vmem>>, vector<1x16xf32>,
        %get3A_321 = vector.shape_cast %get3A_320 : vector<1x16xf32> to vector<16xf32>
        %get3A_322 = arith.index_cast %add3A_281 : i32 to index
        %get3A_323 = arith.constant 16 : index
        %get3A_324 = tpu.vector_load %arg6[%get3A_322, %get3A_323] {strides = array<i32>} : memref<512x64xf32, #tpu.memory_space<vmem>>, vector<1x16xf32>,
        %get3A_325 = vector.shape_cast %get3A_324 : vector<1x16xf32> to vector<16xf32>
        %get3A_326 = arith.index_cast %add3A_281 : i32 to index
        %get3A_327 = arith.constant 32 : index
        %get3A_328 = tpu.vector_load %arg6[%get3A_326, %get3A_327] {strides = array<i32>} : memref<512x64xf32, #tpu.memory_space<vmem>>, vector<1x16xf32>,
        %get3A_329 = vector.shape_cast %get3A_328 : vector<1x16xf32> to vector<16xf32>
        %get3A_330 = arith.index_cast %add3A_281 : i32 to index
        %get3A_331 = arith.constant 48 : index
        %get3A_332 = tpu.vector_load %arg6[%get3A_330, %get3A_331] {strides = array<i32>} : memref<512x64xf32, #tpu.memory_space<vmem>>, vector<1x16xf32>,
        %get3A_333 = vector.shape_cast %get3A_332 : vector<1x16xf32> to vector<16xf32>
        %get3A_334 = arith.index_cast %add3A_285 : i32 to index
        %get3A_335 = arith.constant 0 : index
        %get3A_336 = tpu.vector_load %arg6[%get3A_334, %get3A_335] {strides = array<i32>} : memref<512x64xf32, #tpu.memory_space<vmem>>, vector<1x16xf32>,
        %get3A_337 = vector.shape_cast %get3A_336 : vector<1x16xf32> to vector<16xf32>
        %get3A_338 = arith.index_cast %add3A_285 : i32 to index
        %get3A_339 = arith.constant 16 : index
        %get3A_340 = tpu.vector_load %arg6[%get3A_338, %get3A_339] {strides = array<i32>} : memref<512x64xf32, #tpu.memory_space<vmem>>, vector<1x16xf32>,
        %get3A_341 = vector.shape_cast %get3A_340 : vector<1x16xf32> to vector<16xf32>
        %get3A_342 = arith.index_cast %add3A_285 : i32 to index
        %get3A_343 = arith.constant 32 : index
        %get3A_344 = tpu.vector_load %arg6[%get3A_342, %get3A_343] {strides = array<i32>} : memref<512x64xf32, #tpu.memory_space<vmem>>, vector<1x16xf32>,
        %get3A_345 = vector.shape_cast %get3A_344 : vector<1x16xf32> to vector<16xf32>
        %get3A_346 = arith.index_cast %add3A_285 : i32 to index
        %get3A_347 = arith.constant 48 : index
        %get3A_348 = tpu.vector_load %arg6[%get3A_346, %get3A_347] {strides = array<i32>} : memref<512x64xf32, #tpu.memory_space<vmem>>, vector<1x16xf32>,
        %get3A_349 = vector.shape_cast %get3A_348 : vector<1x16xf32> to vector<16xf32>
        %get3A_350 = arith.index_cast %add3A_289 : i32 to index
        %get3A_351 = arith.constant 0 : index
        %get3A_352 = tpu.vector_load %arg6[%get3A_350, %get3A_351] {strides = array<i32>} : memref<512x64xf32, #tpu.memory_space<vmem>>, vector<1x16xf32>,
        %get3A_353 = vector.shape_cast %get3A_352 : vector<1x16xf32> to vector<16xf32>
        %get3A_354 = arith.index_cast %add3A_289 : i32 to index
        %get3A_355 = arith.constant 16 : index
        %get3A_356 = tpu.vector_load %arg6[%get3A_354, %get3A_355] {strides = array<i32>} : memref<512x64xf32, #tpu.memory_space<vmem>>, vector<1x16xf32>,
        %get3A_357 = vector.shape_cast %get3A_356 : vector<1x16xf32> to vector<16xf32>
        %get3A_358 = arith.index_cast %add3A_289 : i32 to index
        %get3A_359 = arith.constant 32 : index
        %get3A_360 = tpu.vector_load %arg6[%get3A_358, %get3A_359] {strides = array<i32>} : memref<512x64xf32, #tpu.memory_space<vmem>>, vector<1x16xf32>,
        %get3A_361 = vector.shape_cast %get3A_360 : vector<1x16xf32> to vector<16xf32>
        %get3A_362 = arith.index_cast %add3A_289 : i32 to index
        %get3A_363 = arith.constant 48 : index
        %get3A_364 = tpu.vector_load %arg6[%get3A_362, %get3A_363] {strides = array<i32>} : memref<512x64xf32, #tpu.memory_space<vmem>>, vector<1x16xf32>,
        %get3A_365 = vector.shape_cast %get3A_364 : vector<1x16xf32> to vector<16xf32>
        %mul3A_366 = arith.mulf %get3A_305, %broadcast_in_dim3A_292 : vector<16xf32>
        %mul3A_367 = arith.mulf %get3A_309, %broadcast_in_dim3A_292 : vector<16xf32>
        %mul3A_368 = arith.mulf %get3A_313, %broadcast_in_dim3A_292 : vector<16xf32>
        %mul3A_369 = arith.mulf %get3A_317, %broadcast_in_dim3A_292 : vector<16xf32>
        %mul3A_370 = arith.mulf %get3A_321, %broadcast_in_dim3A_295 : vector<16xf32>
        %mul3A_371 = arith.mulf %get3A_325, %broadcast_in_dim3A_295 : vector<16xf32>
        %mul3A_372 = arith.mulf %get3A_329, %broadcast_in_dim3A_295 : vector<16xf32>
        %mul3A_373 = arith.mulf %get3A_333, %broadcast_in_dim3A_295 : vector<16xf32>
        %mul3A_374 = arith.mulf %get3A_337, %broadcast_in_dim3A_298 : vector<16xf32>
        %mul3A_375 = arith.mulf %get3A_341, %broadcast_in_dim3A_298 : vector<16xf32>
        %mul3A_376 = arith.mulf %get3A_345, %broadcast_in_dim3A_298 : vector<16xf32>
        %mul3A_377 = arith.mulf %get3A_349, %broadcast_in_dim3A_298 : vector<16xf32>
        %mul3A_378 = arith.mulf %get3A_353, %broadcast_in_dim3A_301 : vector<16xf32>
        %mul3A_379 = arith.mulf %get3A_357, %broadcast_in_dim3A_301 : vector<16xf32>
        %mul3A_380 = arith.mulf %get3A_361, %broadcast_in_dim3A_301 : vector<16xf32>
        %mul3A_381 = arith.mulf %get3A_365, %broadcast_in_dim3A_301 : vector<16xf32>
        %swap3A_382 = arith.index_cast %add3A_277 : i32 to index
        %swap3A_383 = arith.constant 0 : index
        %swap3A_384 = tpu.vector_load %arg6[%swap3A_382, %swap3A_383] {strides = array<i32>} : memref<512x64xf32, #tpu.memory_space<vmem>>, vector<1x16xf32>,
        %swap3A_385 = vector.shape_cast %swap3A_384 : vector<1x16xf32> to vector<16xf32>
        %swap3A_386 = vector.shape_cast %mul3A_366 : vector<16xf32> to vector<1x16xf32>
        tpu.vector_store %arg6[%swap3A_382, %swap3A_383], %swap3A_386 {strides = array<i32>} : memref<512x64xf32, #tpu.memory_space<vmem>>, vector<1x16xf32>,
        %swap3A_387 = arith.index_cast %add3A_277 : i32 to index
        %swap3A_388 = arith.constant 16 : index
        %swap3A_389 = tpu.vector_load %arg6[%swap3A_387, %swap3A_388] {strides = array<i32>} : memref<512x64xf32, #tpu.memory_space<vmem>>, vector<1x16xf32>,
        %swap3A_390 = vector.shape_cast %swap3A_389 : vector<1x16xf32> to vector<16xf32>
        %swap3A_391 = vector.shape_cast %mul3A_367 : vector<16xf32> to vector<1x16xf32>
        tpu.vector_store %arg6[%swap3A_387, %swap3A_388], %swap3A_391 {strides = array<i32>} : memref<512x64xf32, #tpu.memory_space<vmem>>, vector<1x16xf32>,
        %swap3A_392 = arith.index_cast %add3A_277 : i32 to index
        %swap3A_393 = arith.constant 32 : index
        %swap3A_394 = tpu.vector_load %arg6[%swap3A_392, %swap3A_393] {strides = array<i32>} : memref<512x64xf32, #tpu.memory_space<vmem>>, vector<1x16xf32>,
        %swap3A_395 = vector.shape_cast %swap3A_394 : vector<1x16xf32> to vector<16xf32>
        %swap3A_396 = vector.shape_cast %mul3A_368 : vector<16xf32> to vector<1x16xf32>
        tpu.vector_store %arg6[%swap3A_392, %swap3A_393], %swap3A_396 {strides = array<i32>} : memref<512x64xf32, #tpu.memory_space<vmem>>, vector<1x16xf32>,
        %swap3A_397 = arith.index_cast %add3A_277 : i32 to index
        %swap3A_398 = arith.constant 48 : index
        %swap3A_399 = tpu.vector_load %arg6[%swap3A_397, %swap3A_398] {strides = array<i32>} : memref<512x64xf32, #tpu.memory_space<vmem>>, vector<1x16xf32>,
        %swap3A_400 = vector.shape_cast %swap3A_399 : vector<1x16xf32> to vector<16xf32>
        %swap3A_401 = vector.shape_cast %mul3A_369 : vector<16xf32> to vector<1x16xf32>
        tpu.vector_store %arg6[%swap3A_397, %swap3A_398], %swap3A_401 {strides = array<i32>} : memref<512x64xf32, #tpu.memory_space<vmem>>, vector<1x16xf32>,
        %swap3A_402 = arith.index_cast %add3A_281 : i32 to index
        %swap3A_403 = arith.constant 0 : index
        %swap3A_404 = tpu.vector_load %arg6[%swap3A_402, %swap3A_403] {strides = array<i32>} : memref<512x64xf32, #tpu.memory_space<vmem>>, vector<1x16xf32>,
        %swap3A_405 = vector.shape_cast %swap3A_404 : vector<1x16xf32> to vector<16xf32>
        %swap3A_406 = vector.shape_cast %mul3A_370 : vector<16xf32> to vector<1x16xf32>
        tpu.vector_store %arg6[%swap3A_402, %swap3A_403], %swap3A_406 {strides = array<i32>} : memref<512x64xf32, #tpu.memory_space<vmem>>, vector<1x16xf32>,
        %swap3A_407 = arith.index_cast %add3A_281 : i32 to index
        %swap3A_408 = arith.constant 16 : index
        %swap3A_409 = tpu.vector_load %arg6[%swap3A_407, %swap3A_408] {strides = array<i32>} : memref<512x64xf32, #tpu.memory_space<vmem>>, vector<1x16xf32>,
        %swap3A_410 = vector.shape_cast %swap3A_409 : vector<1x16xf32> to vector<16xf32>
        %swap3A_411 = vector.shape_cast %mul3A_371 : vector<16xf32> to vector<1x16xf32>
        tpu.vector_store %arg6[%swap3A_407, %swap3A_408], %swap3A_411 {strides = array<i32>} : memref<512x64xf32, #tpu.memory_space<vmem>>, vector<1x16xf32>,
        %swap3A_412 = arith.index_cast %add3A_281 : i32 to index
        %swap3A_413 = arith.constant 32 : index
        %swap3A_414 = tpu.vector_load %arg6[%swap3A_412, %swap3A_413] {strides = array<i32>} : memref<512x64xf32, #tpu.memory_space<vmem>>, vector<1x16xf32>,
        %swap3A_415 = vector.shape_cast %swap3A_414 : vector<1x16xf32> to vector<16xf32>
        %swap3A_416 = vector.shape_cast %mul3A_372 : vector<16xf32> to vector<1x16xf32>
        tpu.vector_store %arg6[%swap3A_412, %swap3A_413], %swap3A_416 {strides = array<i32>} : memref<512x64xf32, #tpu.memory_space<vmem>>, vector<1x16xf32>,
        %swap3A_417 = arith.index_cast %add3A_281 : i32 to index
        %swap3A_418 = arith.constant 48 : index
        %swap3A_419 = tpu.vector_load %arg6[%swap3A_417, %swap3A_418] {strides = array<i32>} : memref<512x64xf32, #tpu.memory_space<vmem>>, vector<1x16xf32>,
        %swap3A_420 = vector.shape_cast %swap3A_419 : vector<1x16xf32> to vector<16xf32>
        %swap3A_421 = vector.shape_cast %mul3A_373 : vector<16xf32> to vector<1x16xf32>
        tpu.vector_store %arg6[%swap3A_417, %swap3A_418], %swap3A_421 {strides = array<i32>} : memref<512x64xf32, #tpu.memory_space<vmem>>, vector<1x16xf32>,
        %swap3A_422 = arith.index_cast %add3A_285 : i32 to index
        %swap3A_423 = arith.constant 0 : index
        %swap3A_424 = tpu.vector_load %arg6[%swap3A_422, %swap3A_423] {strides = array<i32>} : memref<512x64xf32, #tpu.memory_space<vmem>>, vector<1x16xf32>,
        %swap3A_425 = vector.shape_cast %swap3A_424 : vector<1x16xf32> to vector<16xf32>
        %swap3A_426 = vector.shape_cast %mul3A_374 : vector<16xf32> to vector<1x16xf32>
        tpu.vector_store %arg6[%swap3A_422, %swap3A_423], %swap3A_426 {strides = array<i32>} : memref<512x64xf32, #tpu.memory_space<vmem>>, vector<1x16xf32>,
        %swap3A_427 = arith.index_cast %add3A_285 : i32 to index
        %swap3A_428 = arith.constant 16 : index
        %swap3A_429 = tpu.vector_load %arg6[%swap3A_427, %swap3A_428] {strides = array<i32>} : memref<512x64xf32, #tpu.memory_space<vmem>>, vector<1x16xf32>,
        %swap3A_430 = vector.shape_cast %swap3A_429 : vector<1x16xf32> to vector<16xf32>
        %swap3A_431 = vector.shape_cast %mul3A_375 : vector<16xf32> to vector<1x16xf32>
        tpu.vector_store %arg6[%swap3A_427, %swap3A_428], %swap3A_431 {strides = array<i32>} : memref<512x64xf32, #tpu.memory_space<vmem>>, vector<1x16xf32>,
        %swap3A_432 = arith.index_cast %add3A_285 : i32 to index
        %swap3A_433 = arith.constant 32 : index
        %swap3A_434 = tpu.vector_load %arg6[%swap3A_432, %swap3A_433] {strides = array<i32>} : memref<512x64xf32, #tpu.memory_space<vmem>>, vector<1x16xf32>,
        %swap3A_435 = vector.shape_cast %swap3A_434 : vector<1x16xf32> to vector<16xf32>
        %swap3A_436 = vector.shape_cast %mul3A_376 : vector<16xf32> to vector<1x16xf32>
        tpu.vector_store %arg6[%swap3A_432, %swap3A_433], %swap3A_436 {strides = array<i32>} : memref<512x64xf32, #tpu.memory_space<vmem>>, vector<1x16xf32>,
        %swap3A_437 = arith.index_cast %add3A_285 : i32 to index
        %swap3A_438 = arith.constant 48 : index
        %swap3A_439 = tpu.vector_load %arg6[%swap3A_437, %swap3A_438] {strides = array<i32>} : memref<512x64xf32, #tpu.memory_space<vmem>>, vector<1x16xf32>,
        %swap3A_440 = vector.shape_cast %swap3A_439 : vector<1x16xf32> to vector<16xf32>
        %swap3A_441 = vector.shape_cast %mul3A_377 : vector<16xf32> to vector<1x16xf32>
        tpu.vector_store %arg6[%swap3A_437, %swap3A_438], %swap3A_441 {strides = array<i32>} : memref<512x64xf32, #tpu.memory_space<vmem>>, vector<1x16xf32>,
        %swap3A_442 = arith.index_cast %add3A_289 : i32 to index
        %swap3A_443 = arith.constant 0 : index
        %swap3A_444 = tpu.vector_load %arg6[%swap3A_442, %swap3A_443] {strides = array<i32>} : memref<512x64xf32, #tpu.memory_space<vmem>>, vector<1x16xf32>,
        %swap3A_445 = vector.shape_cast %swap3A_444 : vector<1x16xf32> to vector<16xf32>
        %swap3A_446 = vector.shape_cast %mul3A_378 : vector<16xf32> to vector<1x16xf32>
        tpu.vector_store %arg6[%swap3A_442, %swap3A_443], %swap3A_446 {strides = array<i32>} : memref<512x64xf32, #tpu.memory_space<vmem>>, vector<1x16xf32>,
        %swap3A_447 = arith.index_cast %add3A_289 : i32 to index
        %swap3A_448 = arith.constant 16 : index
        %swap3A_449 = tpu.vector_load %arg6[%swap3A_447, %swap3A_448] {strides = array<i32>} : memref<512x64xf32, #tpu.memory_space<vmem>>, vector<1x16xf32>,
        %swap3A_450 = vector.shape_cast %swap3A_449 : vector<1x16xf32> to vector<16xf32>
        %swap3A_451 = vector.shape_cast %mul3A_379 : vector<16xf32> to vector<1x16xf32>
        tpu.vector_store %arg6[%swap3A_447, %swap3A_448], %swap3A_451 {strides = array<i32>} : memref<512x64xf32, #tpu.memory_space<vmem>>, vector<1x16xf32>,
        %swap3A_452 = arith.index_cast %add3A_289 : i32 to index
        %swap3A_453 = arith.constant 32 : index
        %swap3A_454 = tpu.vector_load %arg6[%swap3A_452, %swap3A_453] {strides = array<i32>} : memref<512x64xf32, #tpu.memory_space<vmem>>, vector<1x16xf32>,
        %swap3A_455 = vector.shape_cast %swap3A_454 : vector<1x16xf32> to vector<16xf32>
        %swap3A_456 = vector.shape_cast %mul3A_380 : vector<16xf32> to vector<1x16xf32>
        tpu.vector_store %arg6[%swap3A_452, %swap3A_453], %swap3A_456 {strides = array<i32>} : memref<512x64xf32, #tpu.memory_space<vmem>>, vector<1x16xf32>,
        %swap3A_457 = arith.index_cast %add3A_289 : i32 to index
        %swap3A_458 = arith.constant 48 : index
        %swap3A_459 = tpu.vector_load %arg6[%swap3A_457, %swap3A_458] {strides = array<i32>} : memref<512x64xf32, #tpu.memory_space<vmem>>, vector<1x16xf32>,
        %swap3A_460 = vector.shape_cast %swap3A_459 : vector<1x16xf32> to vector<16xf32>
        %swap3A_461 = vector.shape_cast %mul3A_381 : vector<16xf32> to vector<1x16xf32>
        tpu.vector_store %arg6[%swap3A_457, %swap3A_458], %swap3A_461 {strides = array<i32>} : memref<512x64xf32, #tpu.memory_space<vmem>>, vector<1x16xf32>,
        %add3A_462 = arith.constant 8 : i32
        %add3A_463 = arith.addi %mul3A_88, %add3A_462 : i32
        %add3A_464 = arith.constant 0 : i32
        %add3A_465 = arith.addi %add3A_463, %add3A_464 : i32
        %add3A_466 = arith.constant 8 : i32
        %add3A_467 = arith.addi %mul3A_88, %add3A_466 : i32
        %add3A_468 = arith.constant 1 : i32
        %add3A_469 = arith.addi %add3A_467, %add3A_468 : i32
        %add3A_470 = arith.constant 8 : i32
        %add3A_471 = arith.addi %mul3A_88, %add3A_470 : i32
        %add3A_472 = arith.constant 2 : i32
        %add3A_473 = arith.addi %add3A_471, %add3A_472 : i32
        %add3A_474 = arith.constant 8 : i32
        %add3A_475 = arith.addi %mul3A_88, %add3A_474 : i32
        %add3A_476 = arith.constant 3 : i32
        %add3A_477 = arith.addi %add3A_475, %add3A_476 : i32
        %slice3A_478 = vector.extract_strided_slice %select_n3A {offsets = [8], sizes = [1], strides = [1]} : vector<16xf32> to vector<1xf32>
        %squeeze3A_479 = vector.extract %slice3A_478[0] : f32 from vector<1xf32>
        %broadcast_in_dim3A_480 = vector.broadcast %squeeze3A_479 : f32 to vector<16xf32>
        %slice3A_481 = vector.extract_strided_slice %select_n3A {offsets = [9], sizes = [1], strides = [1]} : vector<16xf32> to vector<1xf32>
        %squeeze3A_482 = vector.extract %slice3A_481[0] : f32 from vector<1xf32>
        %broadcast_in_dim3A_483 = vector.broadcast %squeeze3A_482 : f32 to vector<16xf32>
        %slice3A_484 = vector.extract_strided_slice %select_n3A {offsets = [10], sizes = [1], strides = [1]} : vector<16xf32> to vector<1xf32>
        %squeeze3A_485 = vector.extract %slice3A_484[0] : f32 from vector<1xf32>
        %broadcast_in_dim3A_486 = vector.broadcast %squeeze3A_485 : f32 to vector<16xf32>
        %slice3A_487 = vector.extract_strided_slice %select_n3A {offsets = [11], sizes = [1], strides = [1]} : vector<16xf32> to vector<1xf32>
        %squeeze3A_488 = vector.extract %slice3A_487[0] : f32 from vector<1xf32>
        %broadcast_in_dim3A_489 = vector.broadcast %squeeze3A_488 : f32 to vector<16xf32>
        %get3A_490 = arith.index_cast %add3A_465 : i32 to index
        %get3A_491 = arith.constant 0 : index
        %get3A_492 = tpu.vector_load %arg6[%get3A_490, %get3A_491] {strides = array<i32>} : memref<512x64xf32, #tpu.memory_space<vmem>>, vector<1x16xf32>,
        %get3A_493 = vector.shape_cast %get3A_492 : vector<1x16xf32> to vector<16xf32>
        %get3A_494 = arith.index_cast %add3A_465 : i32 to index
        %get3A_495 = arith.constant 16 : index
        %get3A_496 = tpu.vector_load %arg6[%get3A_494, %get3A_495] {strides = array<i32>} : memref<512x64xf32, #tpu.memory_space<vmem>>, vector<1x16xf32>,
        %get3A_497 = vector.shape_cast %get3A_496 : vector<1x16xf32> to vector<16xf32>
        %get3A_498 = arith.index_cast %add3A_465 : i32 to index
        %get3A_499 = arith.constant 32 : index
        %get3A_500 = tpu.vector_load %arg6[%get3A_498, %get3A_499] {strides = array<i32>} : memref<512x64xf32, #tpu.memory_space<vmem>>, vector<1x16xf32>,
        %get3A_501 = vector.shape_cast %get3A_500 : vector<1x16xf32> to vector<16xf32>
        %get3A_502 = arith.index_cast %add3A_465 : i32 to index
        %get3A_503 = arith.constant 48 : index
        %get3A_504 = tpu.vector_load %arg6[%get3A_502, %get3A_503] {strides = array<i32>} : memref<512x64xf32, #tpu.memory_space<vmem>>, vector<1x16xf32>,
        %get3A_505 = vector.shape_cast %get3A_504 : vector<1x16xf32> to vector<16xf32>
        %get3A_506 = arith.index_cast %add3A_469 : i32 to index
        %get3A_507 = arith.constant 0 : index
        %get3A_508 = tpu.vector_load %arg6[%get3A_506, %get3A_507] {strides = array<i32>} : memref<512x64xf32, #tpu.memory_space<vmem>>, vector<1x16xf32>,
        %get3A_509 = vector.shape_cast %get3A_508 : vector<1x16xf32> to vector<16xf32>
        %get3A_510 = arith.index_cast %add3A_469 : i32 to index
        %get3A_511 = arith.constant 16 : index
        %get3A_512 = tpu.vector_load %arg6[%get3A_510, %get3A_511] {strides = array<i32>} : memref<512x64xf32, #tpu.memory_space<vmem>>, vector<1x16xf32>,
        %get3A_513 = vector.shape_cast %get3A_512 : vector<1x16xf32> to vector<16xf32>
        %get3A_514 = arith.index_cast %add3A_469 : i32 to index
        %get3A_515 = arith.constant 32 : index
        %get3A_516 = tpu.vector_load %arg6[%get3A_514, %get3A_515] {strides = array<i32>} : memref<512x64xf32, #tpu.memory_space<vmem>>, vector<1x16xf32>,
        %get3A_517 = vector.shape_cast %get3A_516 : vector<1x16xf32> to vector<16xf32>
        %get3A_518 = arith.index_cast %add3A_469 : i32 to index
        %get3A_519 = arith.constant 48 : index
        %get3A_520 = tpu.vector_load %arg6[%get3A_518, %get3A_519] {strides = array<i32>} : memref<512x64xf32, #tpu.memory_space<vmem>>, vector<1x16xf32>,
        %get3A_521 = vector.shape_cast %get3A_520 : vector<1x16xf32> to vector<16xf32>
        %get3A_522 = arith.index_cast %add3A_473 : i32 to index
        %get3A_523 = arith.constant 0 : index
        %get3A_524 = tpu.vector_load %arg6[%get3A_522, %get3A_523] {strides = array<i32>} : memref<512x64xf32, #tpu.memory_space<vmem>>, vector<1x16xf32>,
        %get3A_525 = vector.shape_cast %get3A_524 : vector<1x16xf32> to vector<16xf32>
        %get3A_526 = arith.index_cast %add3A_473 : i32 to index
        %get3A_527 = arith.constant 16 : index
        %get3A_528 = tpu.vector_load %arg6[%get3A_526, %get3A_527] {strides = array<i32>} : memref<512x64xf32, #tpu.memory_space<vmem>>, vector<1x16xf32>,
        %get3A_529 = vector.shape_cast %get3A_528 : vector<1x16xf32> to vector<16xf32>
        %get3A_530 = arith.index_cast %add3A_473 : i32 to index
        %get3A_531 = arith.constant 32 : index
        %get3A_532 = tpu.vector_load %arg6[%get3A_530, %get3A_531] {strides = array<i32>} : memref<512x64xf32, #tpu.memory_space<vmem>>, vector<1x16xf32>,
        %get3A_533 = vector.shape_cast %get3A_532 : vector<1x16xf32> to vector<16xf32>
        %get3A_534 = arith.index_cast %add3A_473 : i32 to index
        %get3A_535 = arith.constant 48 : index
        %get3A_536 = tpu.vector_load %arg6[%get3A_534, %get3A_535] {strides = array<i32>} : memref<512x64xf32, #tpu.memory_space<vmem>>, vector<1x16xf32>,
        %get3A_537 = vector.shape_cast %get3A_536 : vector<1x16xf32> to vector<16xf32>
        %get3A_538 = arith.index_cast %add3A_477 : i32 to index
        %get3A_539 = arith.constant 0 : index
        %get3A_540 = tpu.vector_load %arg6[%get3A_538, %get3A_539] {strides = array<i32>} : memref<512x64xf32, #tpu.memory_space<vmem>>, vector<1x16xf32>,
        %get3A_541 = vector.shape_cast %get3A_540 : vector<1x16xf32> to vector<16xf32>
        %get3A_542 = arith.index_cast %add3A_477 : i32 to index
        %get3A_543 = arith.constant 16 : index
        %get3A_544 = tpu.vector_load %arg6[%get3A_542, %get3A_543] {strides = array<i32>} : memref<512x64xf32, #tpu.memory_space<vmem>>, vector<1x16xf32>,
        %get3A_545 = vector.shape_cast %get3A_544 : vector<1x16xf32> to vector<16xf32>
        %get3A_546 = arith.index_cast %add3A_477 : i32 to index
        %get3A_547 = arith.constant 32 : index
        %get3A_548 = tpu.vector_load %arg6[%get3A_546, %get3A_547] {strides = array<i32>} : memref<512x64xf32, #tpu.memory_space<vmem>>, vector<1x16xf32>,
        %get3A_549 = vector.shape_cast %get3A_548 : vector<1x16xf32> to vector<16xf32>
        %get3A_550 = arith.index_cast %add3A_477 : i32 to index
        %get3A_551 = arith.constant 48 : index
        %get3A_552 = tpu.vector_load %arg6[%get3A_550, %get3A_551] {strides = array<i32>} : memref<512x64xf32, #tpu.memory_space<vmem>>, vector<1x16xf32>,
        %get3A_553 = vector.shape_cast %get3A_552 : vector<1x16xf32> to vector<16xf32>
        %mul3A_554 = arith.mulf %get3A_493, %broadcast_in_dim3A_480 : vector<16xf32>
        %mul3A_555 = arith.mulf %get3A_497, %broadcast_in_dim3A_480 : vector<16xf32>
        %mul3A_556 = arith.mulf %get3A_501, %broadcast_in_dim3A_480 : vector<16xf32>
        %mul3A_557 = arith.mulf %get3A_505, %broadcast_in_dim3A_480 : vector<16xf32>
        %mul3A_558 = arith.mulf %get3A_509, %broadcast_in_dim3A_483 : vector<16xf32>
        %mul3A_559 = arith.mulf %get3A_513, %broadcast_in_dim3A_483 : vector<16xf32>
        %mul3A_560 = arith.mulf %get3A_517, %broadcast_in_dim3A_483 : vector<16xf32>
        %mul3A_561 = arith.mulf %get3A_521, %broadcast_in_dim3A_483 : vector<16xf32>
        %mul3A_562 = arith.mulf %get3A_525, %broadcast_in_dim3A_486 : vector<16xf32>
        %mul3A_563 = arith.mulf %get3A_529, %broadcast_in_dim3A_486 : vector<16xf32>
        %mul3A_564 = arith.mulf %get3A_533, %broadcast_in_dim3A_486 : vector<16xf32>
        %mul3A_565 = arith.mulf %get3A_537, %broadcast_in_dim3A_486 : vector<16xf32>
        %mul3A_566 = arith.mulf %get3A_541, %broadcast_in_dim3A_489 : vector<16xf32>
        %mul3A_567 = arith.mulf %get3A_545, %broadcast_in_dim3A_489 : vector<16xf32>
        %mul3A_568 = arith.mulf %get3A_549, %broadcast_in_dim3A_489 : vector<16xf32>
        %mul3A_569 = arith.mulf %get3A_553, %broadcast_in_dim3A_489 : vector<16xf32>
        %swap3A_570 = arith.index_cast %add3A_465 : i32 to index
        %swap3A_571 = arith.constant 0 : index
        %swap3A_572 = tpu.vector_load %arg6[%swap3A_570, %swap3A_571] {strides = array<i32>} : memref<512x64xf32, #tpu.memory_space<vmem>>, vector<1x16xf32>,
        %swap3A_573 = vector.shape_cast %swap3A_572 : vector<1x16xf32> to vector<16xf32>
        %swap3A_574 = vector.shape_cast %mul3A_554 : vector<16xf32> to vector<1x16xf32>
        tpu.vector_store %arg6[%swap3A_570, %swap3A_571], %swap3A_574 {strides = array<i32>} : memref<512x64xf32, #tpu.memory_space<vmem>>, vector<1x16xf32>,
        %swap3A_575 = arith.index_cast %add3A_465 : i32 to index
        %swap3A_576 = arith.constant 16 : index
        %swap3A_577 = tpu.vector_load %arg6[%swap3A_575, %swap3A_576] {strides = array<i32>} : memref<512x64xf32, #tpu.memory_space<vmem>>, vector<1x16xf32>,
        %swap3A_578 = vector.shape_cast %swap3A_577 : vector<1x16xf32> to vector<16xf32>
        %swap3A_579 = vector.shape_cast %mul3A_555 : vector<16xf32> to vector<1x16xf32>
        tpu.vector_store %arg6[%swap3A_575, %swap3A_576], %swap3A_579 {strides = array<i32>} : memref<512x64xf32, #tpu.memory_space<vmem>>, vector<1x16xf32>,
        %swap3A_580 = arith.index_cast %add3A_465 : i32 to index
        %swap3A_581 = arith.constant 32 : index
        %swap3A_582 = tpu.vector_load %arg6[%swap3A_580, %swap3A_581] {strides = array<i32>} : memref<512x64xf32, #tpu.memory_space<vmem>>, vector<1x16xf32>,
        %swap3A_583 = vector.shape_cast %swap3A_582 : vector<1x16xf32> to vector<16xf32>
        %swap3A_584 = vector.shape_cast %mul3A_556 : vector<16xf32> to vector<1x16xf32>
        tpu.vector_store %arg6[%swap3A_580, %swap3A_581], %swap3A_584 {strides = array<i32>} : memref<512x64xf32, #tpu.memory_space<vmem>>, vector<1x16xf32>,
        %swap3A_585 = arith.index_cast %add3A_465 : i32 to index
        %swap3A_586 = arith.constant 48 : index
        %swap3A_587 = tpu.vector_load %arg6[%swap3A_585, %swap3A_586] {strides = array<i32>} : memref<512x64xf32, #tpu.memory_space<vmem>>, vector<1x16xf32>,
        %swap3A_588 = vector.shape_cast %swap3A_587 : vector<1x16xf32> to vector<16xf32>
        %swap3A_589 = vector.shape_cast %mul3A_557 : vector<16xf32> to vector<1x16xf32>
        tpu.vector_store %arg6[%swap3A_585, %swap3A_586], %swap3A_589 {strides = array<i32>} : memref<512x64xf32, #tpu.memory_space<vmem>>, vector<1x16xf32>,
        %swap3A_590 = arith.index_cast %add3A_469 : i32 to index
        %swap3A_591 = arith.constant 0 : index
        %swap3A_592 = tpu.vector_load %arg6[%swap3A_590, %swap3A_591] {strides = array<i32>} : memref<512x64xf32, #tpu.memory_space<vmem>>, vector<1x16xf32>,
        %swap3A_593 = vector.shape_cast %swap3A_592 : vector<1x16xf32> to vector<16xf32>
        %swap3A_594 = vector.shape_cast %mul3A_558 : vector<16xf32> to vector<1x16xf32>
        tpu.vector_store %arg6[%swap3A_590, %swap3A_591], %swap3A_594 {strides = array<i32>} : memref<512x64xf32, #tpu.memory_space<vmem>>, vector<1x16xf32>,
        %swap3A_595 = arith.index_cast %add3A_469 : i32 to index
        %swap3A_596 = arith.constant 16 : index
        %swap3A_597 = tpu.vector_load %arg6[%swap3A_595, %swap3A_596] {strides = array<i32>} : memref<512x64xf32, #tpu.memory_space<vmem>>, vector<1x16xf32>,
        %swap3A_598 = vector.shape_cast %swap3A_597 : vector<1x16xf32> to vector<16xf32>
        %swap3A_599 = vector.shape_cast %mul3A_559 : vector<16xf32> to vector<1x16xf32>
        tpu.vector_store %arg6[%swap3A_595, %swap3A_596], %swap3A_599 {strides = array<i32>} : memref<512x64xf32, #tpu.memory_space<vmem>>, vector<1x16xf32>,
        %swap3A_600 = arith.index_cast %add3A_469 : i32 to index
        %swap3A_601 = arith.constant 32 : index
        %swap3A_602 = tpu.vector_load %arg6[%swap3A_600, %swap3A_601] {strides = array<i32>} : memref<512x64xf32, #tpu.memory_space<vmem>>, vector<1x16xf32>,
        %swap3A_603 = vector.shape_cast %swap3A_602 : vector<1x16xf32> to vector<16xf32>
        %swap3A_604 = vector.shape_cast %mul3A_560 : vector<16xf32> to vector<1x16xf32>
        tpu.vector_store %arg6[%swap3A_600, %swap3A_601], %swap3A_604 {strides = array<i32>} : memref<512x64xf32, #tpu.memory_space<vmem>>, vector<1x16xf32>,
        %swap3A_605 = arith.index_cast %add3A_469 : i32 to index
        %swap3A_606 = arith.constant 48 : index
        %swap3A_607 = tpu.vector_load %arg6[%swap3A_605, %swap3A_606] {strides = array<i32>} : memref<512x64xf32, #tpu.memory_space<vmem>>, vector<1x16xf32>,
        %swap3A_608 = vector.shape_cast %swap3A_607 : vector<1x16xf32> to vector<16xf32>
        %swap3A_609 = vector.shape_cast %mul3A_561 : vector<16xf32> to vector<1x16xf32>
        tpu.vector_store %arg6[%swap3A_605, %swap3A_606], %swap3A_609 {strides = array<i32>} : memref<512x64xf32, #tpu.memory_space<vmem>>, vector<1x16xf32>,
        %swap3A_610 = arith.index_cast %add3A_473 : i32 to index
        %swap3A_611 = arith.constant 0 : index
        %swap3A_612 = tpu.vector_load %arg6[%swap3A_610, %swap3A_611] {strides = array<i32>} : memref<512x64xf32, #tpu.memory_space<vmem>>, vector<1x16xf32>,
        %swap3A_613 = vector.shape_cast %swap3A_612 : vector<1x16xf32> to vector<16xf32>
        %swap3A_614 = vector.shape_cast %mul3A_562 : vector<16xf32> to vector<1x16xf32>
        tpu.vector_store %arg6[%swap3A_610, %swap3A_611], %swap3A_614 {strides = array<i32>} : memref<512x64xf32, #tpu.memory_space<vmem>>, vector<1x16xf32>,
        %swap3A_615 = arith.index_cast %add3A_473 : i32 to index
        %swap3A_616 = arith.constant 16 : index
        %swap3A_617 = tpu.vector_load %arg6[%swap3A_615, %swap3A_616] {strides = array<i32>} : memref<512x64xf32, #tpu.memory_space<vmem>>, vector<1x16xf32>,
        %swap3A_618 = vector.shape_cast %swap3A_617 : vector<1x16xf32> to vector<16xf32>
        %swap3A_619 = vector.shape_cast %mul3A_563 : vector<16xf32> to vector<1x16xf32>
        tpu.vector_store %arg6[%swap3A_615, %swap3A_616], %swap3A_619 {strides = array<i32>} : memref<512x64xf32, #tpu.memory_space<vmem>>, vector<1x16xf32>,
        %swap3A_620 = arith.index_cast %add3A_473 : i32 to index
        %swap3A_621 = arith.constant 32 : index
        %swap3A_622 = tpu.vector_load %arg6[%swap3A_620, %swap3A_621] {strides = array<i32>} : memref<512x64xf32, #tpu.memory_space<vmem>>, vector<1x16xf32>,
        %swap3A_623 = vector.shape_cast %swap3A_622 : vector<1x16xf32> to vector<16xf32>
        %swap3A_624 = vector.shape_cast %mul3A_564 : vector<16xf32> to vector<1x16xf32>
        tpu.vector_store %arg6[%swap3A_620, %swap3A_621], %swap3A_624 {strides = array<i32>} : memref<512x64xf32, #tpu.memory_space<vmem>>, vector<1x16xf32>,
        %swap3A_625 = arith.index_cast %add3A_473 : i32 to index
        %swap3A_626 = arith.constant 48 : index
        %swap3A_627 = tpu.vector_load %arg6[%swap3A_625, %swap3A_626] {strides = array<i32>} : memref<512x64xf32, #tpu.memory_space<vmem>>, vector<1x16xf32>,
        %swap3A_628 = vector.shape_cast %swap3A_627 : vector<1x16xf32> to vector<16xf32>
        %swap3A_629 = vector.shape_cast %mul3A_565 : vector<16xf32> to vector<1x16xf32>
        tpu.vector_store %arg6[%swap3A_625, %swap3A_626], %swap3A_629 {strides = array<i32>} : memref<512x64xf32, #tpu.memory_space<vmem>>, vector<1x16xf32>,
        %swap3A_630 = arith.index_cast %add3A_477 : i32 to index
        %swap3A_631 = arith.constant 0 : index
        %swap3A_632 = tpu.vector_load %arg6[%swap3A_630, %swap3A_631] {strides = array<i32>} : memref<512x64xf32, #tpu.memory_space<vmem>>, vector<1x16xf32>,
        %swap3A_633 = vector.shape_cast %swap3A_632 : vector<1x16xf32> to vector<16xf32>
        %swap3A_634 = vector.shape_cast %mul3A_566 : vector<16xf32> to vector<1x16xf32>
        tpu.vector_store %arg6[%swap3A_630, %swap3A_631], %swap3A_634 {strides = array<i32>} : memref<512x64xf32, #tpu.memory_space<vmem>>, vector<1x16xf32>,
        %swap3A_635 = arith.index_cast %add3A_477 : i32 to index
        %swap3A_636 = arith.constant 16 : index
        %swap3A_637 = tpu.vector_load %arg6[%swap3A_635, %swap3A_636] {strides = array<i32>} : memref<512x64xf32, #tpu.memory_space<vmem>>, vector<1x16xf32>,
        %swap3A_638 = vector.shape_cast %swap3A_637 : vector<1x16xf32> to vector<16xf32>
        %swap3A_639 = vector.shape_cast %mul3A_567 : vector<16xf32> to vector<1x16xf32>
        tpu.vector_store %arg6[%swap3A_635, %swap3A_636], %swap3A_639 {strides = array<i32>} : memref<512x64xf32, #tpu.memory_space<vmem>>, vector<1x16xf32>,
        %swap3A_640 = arith.index_cast %add3A_477 : i32 to index
        %swap3A_641 = arith.constant 32 : index
        %swap3A_642 = tpu.vector_load %arg6[%swap3A_640, %swap3A_641] {strides = array<i32>} : memref<512x64xf32, #tpu.memory_space<vmem>>, vector<1x16xf32>,
        %swap3A_643 = vector.shape_cast %swap3A_642 : vector<1x16xf32> to vector<16xf32>
        %swap3A_644 = vector.shape_cast %mul3A_568 : vector<16xf32> to vector<1x16xf32>
        tpu.vector_store %arg6[%swap3A_640, %swap3A_641], %swap3A_644 {strides = array<i32>} : memref<512x64xf32, #tpu.memory_space<vmem>>, vector<1x16xf32>,
        %swap3A_645 = arith.index_cast %add3A_477 : i32 to index
        %swap3A_646 = arith.constant 48 : index
        %swap3A_647 = tpu.vector_load %arg6[%swap3A_645, %swap3A_646] {strides = array<i32>} : memref<512x64xf32, #tpu.memory_space<vmem>>, vector<1x16xf32>,
        %swap3A_648 = vector.shape_cast %swap3A_647 : vector<1x16xf32> to vector<16xf32>
        %swap3A_649 = vector.shape_cast %mul3A_569 : vector<16xf32> to vector<1x16xf32>
        tpu.vector_store %arg6[%swap3A_645, %swap3A_646], %swap3A_649 {strides = array<i32>} : memref<512x64xf32, #tpu.memory_space<vmem>>, vector<1x16xf32>,
        %add3A_650 = arith.constant 12 : i32
        %add3A_651 = arith.addi %mul3A_88, %add3A_650 : i32
        %add3A_652 = arith.constant 0 : i32
        %add3A_653 = arith.addi %add3A_651, %add3A_652 : i32
        %add3A_654 = arith.constant 12 : i32
        %add3A_655 = arith.addi %mul3A_88, %add3A_654 : i32
        %add3A_656 = arith.constant 1 : i32
        %add3A_657 = arith.addi %add3A_655, %add3A_656 : i32
        %add3A_658 = arith.constant 12 : i32
        %add3A_659 = arith.addi %mul3A_88, %add3A_658 : i32
        %add3A_660 = arith.constant 2 : i32
        %add3A_661 = arith.addi %add3A_659, %add3A_660 : i32
        %add3A_662 = arith.constant 12 : i32
        %add3A_663 = arith.addi %mul3A_88, %add3A_662 : i32
        %add3A_664 = arith.constant 3 : i32
        %add3A_665 = arith.addi %add3A_663, %add3A_664 : i32
        %slice3A_666 = vector.extract_strided_slice %select_n3A {offsets = [12], sizes = [1], strides = [1]} : vector<16xf32> to vector<1xf32>
        %squeeze3A_667 = vector.extract %slice3A_666[0] : f32 from vector<1xf32>
        %broadcast_in_dim3A_668 = vector.broadcast %squeeze3A_667 : f32 to vector<16xf32>
        %slice3A_669 = vector.extract_strided_slice %select_n3A {offsets = [13], sizes = [1], strides = [1]} : vector<16xf32> to vector<1xf32>
        %squeeze3A_670 = vector.extract %slice3A_669[0] : f32 from vector<1xf32>
        %broadcast_in_dim3A_671 = vector.broadcast %squeeze3A_670 : f32 to vector<16xf32>
        %slice3A_672 = vector.extract_strided_slice %select_n3A {offsets = [14], sizes = [1], strides = [1]} : vector<16xf32> to vector<1xf32>
        %squeeze3A_673 = vector.extract %slice3A_672[0] : f32 from vector<1xf32>
        %broadcast_in_dim3A_674 = vector.broadcast %squeeze3A_673 : f32 to vector<16xf32>
        %slice3A_675 = vector.extract_strided_slice %select_n3A {offsets = [15], sizes = [1], strides = [1]} : vector<16xf32> to vector<1xf32>
        %squeeze3A_676 = vector.extract %slice3A_675[0] : f32 from vector<1xf32>
        %broadcast_in_dim3A_677 = vector.broadcast %squeeze3A_676 : f32 to vector<16xf32>
        %get3A_678 = arith.index_cast %add3A_653 : i32 to index
        %get3A_679 = arith.constant 0 : index
        %get3A_680 = tpu.vector_load %arg6[%get3A_678, %get3A_679] {strides = array<i32>} : memref<512x64xf32, #tpu.memory_space<vmem>>, vector<1x16xf32>,
        %get3A_681 = vector.shape_cast %get3A_680 : vector<1x16xf32> to vector<16xf32>
        %get3A_682 = arith.index_cast %add3A_653 : i32 to index
        %get3A_683 = arith.constant 16 : index
        %get3A_684 = tpu.vector_load %arg6[%get3A_682, %get3A_683] {strides = array<i32>} : memref<512x64xf32, #tpu.memory_space<vmem>>, vector<1x16xf32>,
        %get3A_685 = vector.shape_cast %get3A_684 : vector<1x16xf32> to vector<16xf32>
        %get3A_686 = arith.index_cast %add3A_653 : i32 to index
        %get3A_687 = arith.constant 32 : index
        %get3A_688 = tpu.vector_load %arg6[%get3A_686, %get3A_687] {strides = array<i32>} : memref<512x64xf32, #tpu.memory_space<vmem>>, vector<1x16xf32>,
        %get3A_689 = vector.shape_cast %get3A_688 : vector<1x16xf32> to vector<16xf32>
        %get3A_690 = arith.index_cast %add3A_653 : i32 to index
        %get3A_691 = arith.constant 48 : index
        %get3A_692 = tpu.vector_load %arg6[%get3A_690, %get3A_691] {strides = array<i32>} : memref<512x64xf32, #tpu.memory_space<vmem>>, vector<1x16xf32>,
        %get3A_693 = vector.shape_cast %get3A_692 : vector<1x16xf32> to vector<16xf32>
        %get3A_694 = arith.index_cast %add3A_657 : i32 to index
        %get3A_695 = arith.constant 0 : index
        %get3A_696 = tpu.vector_load %arg6[%get3A_694, %get3A_695] {strides = array<i32>} : memref<512x64xf32, #tpu.memory_space<vmem>>, vector<1x16xf32>,
        %get3A_697 = vector.shape_cast %get3A_696 : vector<1x16xf32> to vector<16xf32>
        %get3A_698 = arith.index_cast %add3A_657 : i32 to index
        %get3A_699 = arith.constant 16 : index
        %get3A_700 = tpu.vector_load %arg6[%get3A_698, %get3A_699] {strides = array<i32>} : memref<512x64xf32, #tpu.memory_space<vmem>>, vector<1x16xf32>,
        %get3A_701 = vector.shape_cast %get3A_700 : vector<1x16xf32> to vector<16xf32>
        %get3A_702 = arith.index_cast %add3A_657 : i32 to index
        %get3A_703 = arith.constant 32 : index
        %get3A_704 = tpu.vector_load %arg6[%get3A_702, %get3A_703] {strides = array<i32>} : memref<512x64xf32, #tpu.memory_space<vmem>>, vector<1x16xf32>,
        %get3A_705 = vector.shape_cast %get3A_704 : vector<1x16xf32> to vector<16xf32>
        %get3A_706 = arith.index_cast %add3A_657 : i32 to index
        %get3A_707 = arith.constant 48 : index
        %get3A_708 = tpu.vector_load %arg6[%get3A_706, %get3A_707] {strides = array<i32>} : memref<512x64xf32, #tpu.memory_space<vmem>>, vector<1x16xf32>,
        %get3A_709 = vector.shape_cast %get3A_708 : vector<1x16xf32> to vector<16xf32>
        %get3A_710 = arith.index_cast %add3A_661 : i32 to index
        %get3A_711 = arith.constant 0 : index
        %get3A_712 = tpu.vector_load %arg6[%get3A_710, %get3A_711] {strides = array<i32>} : memref<512x64xf32, #tpu.memory_space<vmem>>, vector<1x16xf32>,
        %get3A_713 = vector.shape_cast %get3A_712 : vector<1x16xf32> to vector<16xf32>
        %get3A_714 = arith.index_cast %add3A_661 : i32 to index
        %get3A_715 = arith.constant 16 : index
        %get3A_716 = tpu.vector_load %arg6[%get3A_714, %get3A_715] {strides = array<i32>} : memref<512x64xf32, #tpu.memory_space<vmem>>, vector<1x16xf32>,
        %get3A_717 = vector.shape_cast %get3A_716 : vector<1x16xf32> to vector<16xf32>
        %get3A_718 = arith.index_cast %add3A_661 : i32 to index
        %get3A_719 = arith.constant 32 : index
        %get3A_720 = tpu.vector_load %arg6[%get3A_718, %get3A_719] {strides = array<i32>} : memref<512x64xf32, #tpu.memory_space<vmem>>, vector<1x16xf32>,
        %get3A_721 = vector.shape_cast %get3A_720 : vector<1x16xf32> to vector<16xf32>
        %get3A_722 = arith.index_cast %add3A_661 : i32 to index
        %get3A_723 = arith.constant 48 : index
        %get3A_724 = tpu.vector_load %arg6[%get3A_722, %get3A_723] {strides = array<i32>} : memref<512x64xf32, #tpu.memory_space<vmem>>, vector<1x16xf32>,
        %get3A_725 = vector.shape_cast %get3A_724 : vector<1x16xf32> to vector<16xf32>
        %get3A_726 = arith.index_cast %add3A_665 : i32 to index
        %get3A_727 = arith.constant 0 : index
        %get3A_728 = tpu.vector_load %arg6[%get3A_726, %get3A_727] {strides = array<i32>} : memref<512x64xf32, #tpu.memory_space<vmem>>, vector<1x16xf32>,
        %get3A_729 = vector.shape_cast %get3A_728 : vector<1x16xf32> to vector<16xf32>
        %get3A_730 = arith.index_cast %add3A_665 : i32 to index
        %get3A_731 = arith.constant 16 : index
        %get3A_732 = tpu.vector_load %arg6[%get3A_730, %get3A_731] {strides = array<i32>} : memref<512x64xf32, #tpu.memory_space<vmem>>, vector<1x16xf32>,
        %get3A_733 = vector.shape_cast %get3A_732 : vector<1x16xf32> to vector<16xf32>
        %get3A_734 = arith.index_cast %add3A_665 : i32 to index
        %get3A_735 = arith.constant 32 : index
        %get3A_736 = tpu.vector_load %arg6[%get3A_734, %get3A_735] {strides = array<i32>} : memref<512x64xf32, #tpu.memory_space<vmem>>, vector<1x16xf32>,
        %get3A_737 = vector.shape_cast %get3A_736 : vector<1x16xf32> to vector<16xf32>
        %get3A_738 = arith.index_cast %add3A_665 : i32 to index
        %get3A_739 = arith.constant 48 : index
        %get3A_740 = tpu.vector_load %arg6[%get3A_738, %get3A_739] {strides = array<i32>} : memref<512x64xf32, #tpu.memory_space<vmem>>, vector<1x16xf32>,
        %get3A_741 = vector.shape_cast %get3A_740 : vector<1x16xf32> to vector<16xf32>
        %mul3A_742 = arith.mulf %get3A_681, %broadcast_in_dim3A_668 : vector<16xf32>
        %mul3A_743 = arith.mulf %get3A_685, %broadcast_in_dim3A_668 : vector<16xf32>
        %mul3A_744 = arith.mulf %get3A_689, %broadcast_in_dim3A_668 : vector<16xf32>
        %mul3A_745 = arith.mulf %get3A_693, %broadcast_in_dim3A_668 : vector<16xf32>
        %mul3A_746 = arith.mulf %get3A_697, %broadcast_in_dim3A_671 : vector<16xf32>
        %mul3A_747 = arith.mulf %get3A_701, %broadcast_in_dim3A_671 : vector<16xf32>
        %mul3A_748 = arith.mulf %get3A_705, %broadcast_in_dim3A_671 : vector<16xf32>
        %mul3A_749 = arith.mulf %get3A_709, %broadcast_in_dim3A_671 : vector<16xf32>
        %mul3A_750 = arith.mulf %get3A_713, %broadcast_in_dim3A_674 : vector<16xf32>
        %mul3A_751 = arith.mulf %get3A_717, %broadcast_in_dim3A_674 : vector<16xf32>
        %mul3A_752 = arith.mulf %get3A_721, %broadcast_in_dim3A_674 : vector<16xf32>
        %mul3A_753 = arith.mulf %get3A_725, %broadcast_in_dim3A_674 : vector<16xf32>
        %mul3A_754 = arith.mulf %get3A_729, %broadcast_in_dim3A_677 : vector<16xf32>
        %mul3A_755 = arith.mulf %get3A_733, %broadcast_in_dim3A_677 : vector<16xf32>
        %mul3A_756 = arith.mulf %get3A_737, %broadcast_in_dim3A_677 : vector<16xf32>
        %mul3A_757 = arith.mulf %get3A_741, %broadcast_in_dim3A_677 : vector<16xf32>
        %swap3A_758 = arith.index_cast %add3A_653 : i32 to index
        %swap3A_759 = arith.constant 0 : index
        %swap3A_760 = tpu.vector_load %arg6[%swap3A_758, %swap3A_759] {strides = array<i32>} : memref<512x64xf32, #tpu.memory_space<vmem>>, vector<1x16xf32>,
        %swap3A_761 = vector.shape_cast %swap3A_760 : vector<1x16xf32> to vector<16xf32>
        %swap3A_762 = vector.shape_cast %mul3A_742 : vector<16xf32> to vector<1x16xf32>
        tpu.vector_store %arg6[%swap3A_758, %swap3A_759], %swap3A_762 {strides = array<i32>} : memref<512x64xf32, #tpu.memory_space<vmem>>, vector<1x16xf32>,
        %swap3A_763 = arith.index_cast %add3A_653 : i32 to index
        %swap3A_764 = arith.constant 16 : index
        %swap3A_765 = tpu.vector_load %arg6[%swap3A_763, %swap3A_764] {strides = array<i32>} : memref<512x64xf32, #tpu.memory_space<vmem>>, vector<1x16xf32>,
        %swap3A_766 = vector.shape_cast %swap3A_765 : vector<1x16xf32> to vector<16xf32>
        %swap3A_767 = vector.shape_cast %mul3A_743 : vector<16xf32> to vector<1x16xf32>
        tpu.vector_store %arg6[%swap3A_763, %swap3A_764], %swap3A_767 {strides = array<i32>} : memref<512x64xf32, #tpu.memory_space<vmem>>, vector<1x16xf32>,
        %swap3A_768 = arith.index_cast %add3A_653 : i32 to index
        %swap3A_769 = arith.constant 32 : index
        %swap3A_770 = tpu.vector_load %arg6[%swap3A_768, %swap3A_769] {strides = array<i32>} : memref<512x64xf32, #tpu.memory_space<vmem>>, vector<1x16xf32>,
        %swap3A_771 = vector.shape_cast %swap3A_770 : vector<1x16xf32> to vector<16xf32>
        %swap3A_772 = vector.shape_cast %mul3A_744 : vector<16xf32> to vector<1x16xf32>
        tpu.vector_store %arg6[%swap3A_768, %swap3A_769], %swap3A_772 {strides = array<i32>} : memref<512x64xf32, #tpu.memory_space<vmem>>, vector<1x16xf32>,
        %swap3A_773 = arith.index_cast %add3A_653 : i32 to index
        %swap3A_774 = arith.constant 48 : index
        %swap3A_775 = tpu.vector_load %arg6[%swap3A_773, %swap3A_774] {strides = array<i32>} : memref<512x64xf32, #tpu.memory_space<vmem>>, vector<1x16xf32>,
        %swap3A_776 = vector.shape_cast %swap3A_775 : vector<1x16xf32> to vector<16xf32>
        %swap3A_777 = vector.shape_cast %mul3A_745 : vector<16xf32> to vector<1x16xf32>
        tpu.vector_store %arg6[%swap3A_773, %swap3A_774], %swap3A_777 {strides = array<i32>} : memref<512x64xf32, #tpu.memory_space<vmem>>, vector<1x16xf32>,
        %swap3A_778 = arith.index_cast %add3A_657 : i32 to index
        %swap3A_779 = arith.constant 0 : index
        %swap3A_780 = tpu.vector_load %arg6[%swap3A_778, %swap3A_779] {strides = array<i32>} : memref<512x64xf32, #tpu.memory_space<vmem>>, vector<1x16xf32>,
        %swap3A_781 = vector.shape_cast %swap3A_780 : vector<1x16xf32> to vector<16xf32>
        %swap3A_782 = vector.shape_cast %mul3A_746 : vector<16xf32> to vector<1x16xf32>
        tpu.vector_store %arg6[%swap3A_778, %swap3A_779], %swap3A_782 {strides = array<i32>} : memref<512x64xf32, #tpu.memory_space<vmem>>, vector<1x16xf32>,
        %swap3A_783 = arith.index_cast %add3A_657 : i32 to index
        %swap3A_784 = arith.constant 16 : index
        %swap3A_785 = tpu.vector_load %arg6[%swap3A_783, %swap3A_784] {strides = array<i32>} : memref<512x64xf32, #tpu.memory_space<vmem>>, vector<1x16xf32>,
        %swap3A_786 = vector.shape_cast %swap3A_785 : vector<1x16xf32> to vector<16xf32>
        %swap3A_787 = vector.shape_cast %mul3A_747 : vector<16xf32> to vector<1x16xf32>
        tpu.vector_store %arg6[%swap3A_783, %swap3A_784], %swap3A_787 {strides = array<i32>} : memref<512x64xf32, #tpu.memory_space<vmem>>, vector<1x16xf32>,
        %swap3A_788 = arith.index_cast %add3A_657 : i32 to index
        %swap3A_789 = arith.constant 32 : index
        %swap3A_790 = tpu.vector_load %arg6[%swap3A_788, %swap3A_789] {strides = array<i32>} : memref<512x64xf32, #tpu.memory_space<vmem>>, vector<1x16xf32>,
        %swap3A_791 = vector.shape_cast %swap3A_790 : vector<1x16xf32> to vector<16xf32>
        %swap3A_792 = vector.shape_cast %mul3A_748 : vector<16xf32> to vector<1x16xf32>
        tpu.vector_store %arg6[%swap3A_788, %swap3A_789], %swap3A_792 {strides = array<i32>} : memref<512x64xf32, #tpu.memory_space<vmem>>, vector<1x16xf32>,
        %swap3A_793 = arith.index_cast %add3A_657 : i32 to index
        %swap3A_794 = arith.constant 48 : index
        %swap3A_795 = tpu.vector_load %arg6[%swap3A_793, %swap3A_794] {strides = array<i32>} : memref<512x64xf32, #tpu.memory_space<vmem>>, vector<1x16xf32>,
        %swap3A_796 = vector.shape_cast %swap3A_795 : vector<1x16xf32> to vector<16xf32>
        %swap3A_797 = vector.shape_cast %mul3A_749 : vector<16xf32> to vector<1x16xf32>
        tpu.vector_store %arg6[%swap3A_793, %swap3A_794], %swap3A_797 {strides = array<i32>} : memref<512x64xf32, #tpu.memory_space<vmem>>, vector<1x16xf32>,
        %swap3A_798 = arith.index_cast %add3A_661 : i32 to index
        %swap3A_799 = arith.constant 0 : index
        %swap3A_800 = tpu.vector_load %arg6[%swap3A_798, %swap3A_799] {strides = array<i32>} : memref<512x64xf32, #tpu.memory_space<vmem>>, vector<1x16xf32>,
        %swap3A_801 = vector.shape_cast %swap3A_800 : vector<1x16xf32> to vector<16xf32>
        %swap3A_802 = vector.shape_cast %mul3A_750 : vector<16xf32> to vector<1x16xf32>
        tpu.vector_store %arg6[%swap3A_798, %swap3A_799], %swap3A_802 {strides = array<i32>} : memref<512x64xf32, #tpu.memory_space<vmem>>, vector<1x16xf32>,
        %swap3A_803 = arith.index_cast %add3A_661 : i32 to index
        %swap3A_804 = arith.constant 16 : index
        %swap3A_805 = tpu.vector_load %arg6[%swap3A_803, %swap3A_804] {strides = array<i32>} : memref<512x64xf32, #tpu.memory_space<vmem>>, vector<1x16xf32>,
        %swap3A_806 = vector.shape_cast %swap3A_805 : vector<1x16xf32> to vector<16xf32>
        %swap3A_807 = vector.shape_cast %mul3A_751 : vector<16xf32> to vector<1x16xf32>
        tpu.vector_store %arg6[%swap3A_803, %swap3A_804], %swap3A_807 {strides = array<i32>} : memref<512x64xf32, #tpu.memory_space<vmem>>, vector<1x16xf32>,
        %swap3A_808 = arith.index_cast %add3A_661 : i32 to index
        %swap3A_809 = arith.constant 32 : index
        %swap3A_810 = tpu.vector_load %arg6[%swap3A_808, %swap3A_809] {strides = array<i32>} : memref<512x64xf32, #tpu.memory_space<vmem>>, vector<1x16xf32>,
        %swap3A_811 = vector.shape_cast %swap3A_810 : vector<1x16xf32> to vector<16xf32>
        %swap3A_812 = vector.shape_cast %mul3A_752 : vector<16xf32> to vector<1x16xf32>
        tpu.vector_store %arg6[%swap3A_808, %swap3A_809], %swap3A_812 {strides = array<i32>} : memref<512x64xf32, #tpu.memory_space<vmem>>, vector<1x16xf32>,
        %swap3A_813 = arith.index_cast %add3A_661 : i32 to index
        %swap3A_814 = arith.constant 48 : index
        %swap3A_815 = tpu.vector_load %arg6[%swap3A_813, %swap3A_814] {strides = array<i32>} : memref<512x64xf32, #tpu.memory_space<vmem>>, vector<1x16xf32>,
        %swap3A_816 = vector.shape_cast %swap3A_815 : vector<1x16xf32> to vector<16xf32>
        %swap3A_817 = vector.shape_cast %mul3A_753 : vector<16xf32> to vector<1x16xf32>
        tpu.vector_store %arg6[%swap3A_813, %swap3A_814], %swap3A_817 {strides = array<i32>} : memref<512x64xf32, #tpu.memory_space<vmem>>, vector<1x16xf32>,
        %swap3A_818 = arith.index_cast %add3A_665 : i32 to index
        %swap3A_819 = arith.constant 0 : index
        %swap3A_820 = tpu.vector_load %arg6[%swap3A_818, %swap3A_819] {strides = array<i32>} : memref<512x64xf32, #tpu.memory_space<vmem>>, vector<1x16xf32>,
        %swap3A_821 = vector.shape_cast %swap3A_820 : vector<1x16xf32> to vector<16xf32>
        %swap3A_822 = vector.shape_cast %mul3A_754 : vector<16xf32> to vector<1x16xf32>
        tpu.vector_store %arg6[%swap3A_818, %swap3A_819], %swap3A_822 {strides = array<i32>} : memref<512x64xf32, #tpu.memory_space<vmem>>, vector<1x16xf32>,
        %swap3A_823 = arith.index_cast %add3A_665 : i32 to index
        %swap3A_824 = arith.constant 16 : index
        %swap3A_825 = tpu.vector_load %arg6[%swap3A_823, %swap3A_824] {strides = array<i32>} : memref<512x64xf32, #tpu.memory_space<vmem>>, vector<1x16xf32>,
        %swap3A_826 = vector.shape_cast %swap3A_825 : vector<1x16xf32> to vector<16xf32>
        %swap3A_827 = vector.shape_cast %mul3A_755 : vector<16xf32> to vector<1x16xf32>
        tpu.vector_store %arg6[%swap3A_823, %swap3A_824], %swap3A_827 {strides = array<i32>} : memref<512x64xf32, #tpu.memory_space<vmem>>, vector<1x16xf32>,
        %swap3A_828 = arith.index_cast %add3A_665 : i32 to index
        %swap3A_829 = arith.constant 32 : index
        %swap3A_830 = tpu.vector_load %arg6[%swap3A_828, %swap3A_829] {strides = array<i32>} : memref<512x64xf32, #tpu.memory_space<vmem>>, vector<1x16xf32>,
        %swap3A_831 = vector.shape_cast %swap3A_830 : vector<1x16xf32> to vector<16xf32>
        %swap3A_832 = vector.shape_cast %mul3A_756 : vector<16xf32> to vector<1x16xf32>
        tpu.vector_store %arg6[%swap3A_828, %swap3A_829], %swap3A_832 {strides = array<i32>} : memref<512x64xf32, #tpu.memory_space<vmem>>, vector<1x16xf32>,
        %swap3A_833 = arith.index_cast %add3A_665 : i32 to index
        %swap3A_834 = arith.constant 48 : index
        %swap3A_835 = tpu.vector_load %arg6[%swap3A_833, %swap3A_834] {strides = array<i32>} : memref<512x64xf32, #tpu.memory_space<vmem>>, vector<1x16xf32>,
        %swap3A_836 = vector.shape_cast %swap3A_835 : vector<1x16xf32> to vector<16xf32>
        %swap3A_837 = vector.shape_cast %mul3A_757 : vector<16xf32> to vector<1x16xf32>
        tpu.vector_store %arg6[%swap3A_833, %swap3A_834], %swap3A_837 {strides = array<i32>} : memref<512x64xf32, #tpu.memory_space<vmem>>, vector<1x16xf32>,
      }
      %scan3A_77 = arith.constant 32 : i32
      "tpu.region"() ({
        %run_scoped3A = tpu.sem_alloc : memref<!tpu.dma_semaphore, #tpu.memory_space<semaphore_mem>>
        %dma_start3A_78 = arith.constant 0 : i32
        %dma_start3A_79 = tpu.memref_slice %arg4[%add3A_10, %dma_start3A_78] : memref<819200x64xf32, #tpu.memory_space<hbm>> -> memref<512x64xf32, #tpu.memory_space<hbm>>
        %dma_start3A_80 = arith.constant 0 : i32
        %dma_start3A_81 = tpu.memref_slice %arg4[%add3A_10, %dma_start3A_80] : memref<819200x64xf32, #tpu.memory_space<hbm>> -> memref<512x64xf32, #tpu.memory_space<hbm>>
        tpu.enqueue_dma source(%arg6 : memref<512x64xf32, #tpu.memory_space<vmem>>) target(%dma_start3A_81 : memref<512x64xf32, #tpu.memory_space<hbm>>) target_semaphore(%run_scoped3A : memref<!tpu.dma_semaphore, #tpu.memory_space<semaphore_mem>>)
        %dma_wait3A_82 = arith.constant 0 : i32
        %dma_wait3A_83 = tpu.memref_slice %arg4[%add3A_10, %dma_wait3A_82] : memref<819200x64xf32, #tpu.memory_space<hbm>> -> memref<512x64xf32, #tpu.memory_space<hbm>>
        %dma_wait3A_84 = arith.constant 0 : i32
        %dma_wait3A_85 = tpu.memref_slice %arg4[%add3A_10, %dma_wait3A_84] : memref<819200x64xf32, #tpu.memory_space<hbm>> -> memref<512x64xf32, #tpu.memory_space<hbm>>
        tpu.wait_dma2 semaphore(%run_scoped3A : memref<!tpu.dma_semaphore, #tpu.memory_space<semaphore_mem>>) src(%arg6 : memref<512x64xf32, #tpu.memory_space<vmem>>) dst(%dma_wait3A_85 : memref<512x64xf32, #tpu.memory_space<hbm>>)
        tpu.yield
      }) : () -> ()
    }
    %scan3A_6 = arith.constant 50 : i32
    return
  }
}

</mosaic_0001>

<sc_bundles>
// kernel: kernel.3.cloned.1.call-start
scs
__scs_entry_jumppad:
0x0: {  	(pc) =	sbr.rel $0x88, $3  }
0x1: {  	(tag) =	ssettag $0x0;
	lr =	simm.s32 $0x1  }
0x2: {  	[smem:$0x3F9F] =	sst lr;
	_ =	strace $0xD0000000  }
0x3: {  	_ = 	snop  }
0x4: {  	_ = 	snop  }
0x5: {  	_ = 	snop  }
0x6: {  	_ = 	snop  }
0x7: {  	_ = 	snop  }
__scs_overlays_trampoline_lowered:
0x8: {  	[smem:$0x3FAE] =	sst s0  }
0x9: {  	[smem:$0x3FAF] =	sst s1  }
0xa: {  	[smem:$0x3FB0] =	sst s2  }
0xb: {  	[smem:$0x3FB1] =	sst s3  }
0xc: {  	[smem:$0x3FB2] =	sst s4  }
0xd: {  	[smem:$0x3FB3] =	sst s5  }
0xe: {  	[smem:$0x3FB4] =	sst s6  }
0xf: {  	[smem:$0x3FB5] =	sst s7  }
0x10: {  	[smem:$0x3FB6] =	sst s8  }
0x11: {  	[smem:$0x3FB7] =	sst s9;
	s0 =	simm.s32 @!p0 $0x0  }
0x12: {  	s1 =	sld [smem:$0x3F9D];
	s0 =	simm.s32 @p0 $0x1  }
0x13: {  	[smem:$0x3FB8] =	sst s0;
	s0 =	simm.s32 @!p1 $0x0  }
0x14: {  	s2 =	sld [smem:$0x3F9C];
	s0 =	simm.s32 @p1 $0x1  }
0x15: {  	[smem:$0x3FB9] =	sst s0;
	s0 =	simm.s32 @!p2 $0x0  }
0x16: {  	s3 =	sld [smem:$0x3FDB];
	s0 =	simm.s32 @p2 $0x1  }
0x17: {  	s4 =	simm.s32 $0x1BF5;
	[smem:$0x3FBB] =	sst s0  }
0x18: {  	s0 =	sld [smem:$0x3F9E];
	_ =	swait.ge [sflag:s4], $0x0  }
0x19: {  	s7 =	sld [smem:$0x3F9F]  }
0x1a: {  	s8 =	sadd.s32 $0xFFFFE003, lr  }
0x1b: {  	s9 =	sadd.s32 $0xFFFFFEF7, lr;
	s5 =	simm.s32 $0xFFFFFFFF;
	p2 =	slt.u32 s8, $0xFFFFF086  }
0x1c: {  	p1 =	slt.u32 s9, $0xF7A;
	s5 =	simm.s32 @!p2 $0x0  }
0x1d: {  	s5 =	simm.s32 @p1 $0x1;
	p0 =	seq.s32 s7, s2  }
0x1e: {  	s7 =	smul.u32 @!p0 $0xF7A, s2;
	p2 =	seq.s32 @!p0 s5, $0x0  }
0x1f: {  	s9 =	smul.u32 $0xF7A, s1;
	s8 =	simm.s32 @!p0 $0x1BF5;
	p2 =	por !p2, p0  }
0x20: {  	[sflag:s8] =	ssyncset.s32 @!p0 $0xFFFFF086;
	s6 =	sadd.s32 @!p0 s3, s7;
	s7 =	simm.s32 @!p0 $0x108  }
0x21: {  	s3 =	sadd.s32 s3, s9;
	s6 =	sadd.s32 @!p0 $0x88, s6;
	s7 =	simm.s32 @p2 $0x1082  }
0x22: {  	[simem:s7], [sflag:s8] =	dma.local @!p0 [hbm:s6], $0xF7A  }
0x23: {  	s9 =	sor.u32 $0xD0000000, s2;
	s6 =	simm.s32 $0x108;
	_ =	swait.ge @!p0 [sflag:s8], $0x0  }
0x24: {  	s3 =	sadd.s32 $0x88, s3;
	s6 =	simm.s32 @!p1 $0x1082;
	[sflag:s4] =	ssyncset.s32 $0xFFFFF086  }
0x25: {  	[simem:s6], [sflag:s4] =	dma.local [hbm:s3], $0xF7A  }
0x26: {  	[smem:$0x3F9F] =	sst s1;
	(tag) =	ssettag s2;
	_ =	strace s9  }
0x27: {  	s1 =	sld [smem:$0x3FAF]  }
0x28: {  	s2 =	sld [smem:$0x3FB0]  }
0x29: {  	s4 =	sld [smem:$0x3FB2]  }
0x2a: {  	p0 =	seq.s32 s5, $0x0;
	s5 =	sld [smem:$0x3FB3]  }
0x2b: {  	s6 =	sld [smem:$0x3FB4]  }
0x2c: {  	s7 =	sld [smem:$0x3FB5]  }
0x2d: {  	s3 =	simm.s32 $0x108;
	s8 =	sld [smem:$0x3FB6]  }
0x2e: {  	s3 =	simm.s32 @!p0 $0x1082;
	s9 =	sld [smem:$0x3FB7]  }
0x2f: {  	lr =	sadd.s32 s0, s3;
	s0 =	sld [smem:$0x3FAE]  }
0x30: {  	s3 =	sld [smem:$0x3FB1]  }
0x31: {  	[smem:$0x3FBA] =	sst s10  }
0x32: {  	s10 =	sld [smem:$0x3FB8];
	_ =	sdelay $0x3  }
0x33: {  	p0 =	seq.s32 s10, $0x1;
	s10 =	sld [smem:$0x3FBA];
	_ =	sdelay $0x3  }
0x34: {  	[smem:$0x3FBA] =	sst s10  }
0x35: {  	s10 =	sld [smem:$0x3FB9];
	_ =	sdelay $0x3  }
0x36: {  	p1 =	seq.s32 s10, $0x1;
	s10 =	sld [smem:$0x3FBA];
	_ =	sdelay $0x3  }
0x37: {  	[smem:$0x3FBA] =	sst s10  }
0x38: {  	s10 =	sld [smem:$0x3FBB]  }
0x39: {  	_ = 	snop;
	(pc) =	sbr.ind lr, $3  }
0x3a: {  	_ = 	snop  }
0x3b: {  	_ = 	snop  }
0x3c: {  	p2 =	seq.s32 s10, $0x1;
	s10 =	sld [smem:$0x3FBA]  }
0x3d: {  	_ =	shalt  }
0x3e: {  	_ =	shalt  }
0x3f: {  	_ =	shalt  }
0x40: {  	_ =	shalt  }
0x41: {  	_ =	shalt  }
0x42: {  	_ =	shalt  }
0x43: {  	_ =	shalt  }
0x44: {  	_ =	shalt  }
0x45: {  	_ =	shalt  }
0x46: {  	_ =	shalt  }
0x47: {  	_ =	shalt  }
0x48: {  	_ =	shalt  }
0x49: {  	_ =	shalt  }
0x4a: {  	_ =	shalt  }
0x4b: {  	_ =	shalt  }
0x4c: {  	_ =	shalt  }
0x4d: {  	_ =	shalt  }
0x4e: {  	_ =	shalt  }
0x4f: {  	_ =	shalt  }
0x50: {  	_ =	shalt  }
0x51: {  	_ =	shalt  }
0x52: {  	_ =	shalt  }
0x53: {  	_ =	shalt  }
0x54: {  	_ =	shalt  }
0x55: {  	_ =	shalt  }
0x56: {  	_ =	shalt  }
0x57: {  	_ =	shalt  }
0x58: {  	_ =	shalt  }
0x59: {  	_ =	shalt  }
0x5a: {  	_ =	shalt  }
0x5b: {  	_ =	shalt  }
0x5c: {  	_ =	shalt  }
0x5d: {  	_ =	shalt  }
0x5e: {  	_ =	shalt  }
0x5f: {  	_ =	shalt  }
0x60: {  	_ =	shalt  }
0x61: {  	_ =	shalt  }
0x62: {  	_ =	shalt  }
0x63: {  	_ =	shalt  }
0x64: {  	_ =	shalt  }
0x65: {  	_ =	shalt  }
0x66: {  	_ =	shalt  }
0x67: {  	_ =	shalt  }
0x68: {  	_ =	shalt  }
0x69: {  	_ =	shalt  }
0x6a: {  	_ =	shalt  }
0x6b: {  	_ =	shalt  }
0x6c: {  	_ =	shalt  }
0x6d: {  	_ =	shalt  }
0x6e: {  	_ =	shalt  }
0x6f: {  	_ =	shalt  }
0x70: {  	_ =	shalt  }
0x71: {  	_ =	shalt  }
0x72: {  	_ =	shalt  }
0x73: {  	_ =	shalt  }
0x74: {  	_ =	shalt  }
0x75: {  	_ =	shalt  }
0x76: {  	_ =	shalt  }
0x77: {  	_ =	shalt  }
0x78: {  	_ =	shalt  }
0x79: {  	_ =	shalt  }
0x7a: {  	_ =	shalt  }
0x7b: {  	_ =	shalt  }
0x7c: {  	_ =	shalt  }
0x7d: {  	_ =	shalt  }
0x7e: {  	_ =	shalt  }
0x7f: {  	_ =	shalt  }
0x80: {  	_ =	shalt  }
0x81: {  	_ =	shalt  }
0x82: {  	_ =	shalt  }
0x83: {  	_ =	shalt  }
0x84: {  	_ =	shalt  }
0x85: {  	_ =	shalt  }
0x86: {  	_ =	shalt  }
0x87: {  	_ =	shalt  }
.Lfunc_end0:
.L_simem_size_0:
called_computation.1_lowered:
.L_overlay_start_0:
0x88: {  	s2 =	sld [smem:$0x3FD9]  }
0x89: {  	s3 =	sld [smem:$0x3FFE];
	_ =	sdelay $0x1  }
0x8a: {  	s1 =	srdreg.scid  }
0x8b: {  	s0 =	sand.u32 $0x1, s1  }
0x8c: {  	s17 =	sshll.u32 s0, $0xA;
	s2 =	sadd.s32 s3, s2  }
0x8d: {  	s2 =	sadd.s32 s2, s17  }
0x8e: {  	[smem:$0x3FC6] =	sst s2  }
0x8f: {  	_ = 	snop  }
0x90: {  	s2 =	sld [smem:$0x3FD0];
	(tm) =	ssettm $0x1  }
0x91: {  	s18 =	sld [smem:$0x3FFB];
	_ =	sdelay $0x3  }
0x92: {  	_ =	strace s18  }
0x93: {  	s3 =	sld [smem:$0x3FFC];
	_ =	sdelay $0x3  }
0x94: {  	_ =	strace s3  }
0x95: {  	s3 =	sld [smem:$0x3FFD];
	_ =	sdelay $0x3  }
0x96: {  	_ =	strace s3  }
0x97: {  	_ =	strace $0x8FFFFFFF  }
0x98: {  	s19 =	sld [smem:$0x3FDB];
	_ =	sdelay $0x1  }
0x99: {  	s4 =	simm.s32 $_scs_section_size  }
0x9a: {  	s5 =	simm.s32 $_size__tile_overlayer_lowered;
	s6 =	simm.s32 $_tile_overlayer_lowered  }
0x9b: {  	s22 =	simm.s32 $0x1BFF;
	s21 =	sshll.u32 s6, $0x1;
	s3 =	sadd.s32 s4, s19  }
0x9c: {  	s7 =	simm.s32 $0x0;
	s20 =	sshll.u32 s5, $0x1;
	s5 =	sadd.s32 s21, s3  }
0x9d: {  	[timem:s7], [sflag:s22] =	dma.local [hbm:s5], s20  }
0x9e: {  	_ =	swait.ge [sflag:s22], s20  }
0x9f: {  	s4 =	ssub.s32 $0x0, s20;
	[sflag:s22] =	ssyncset.done $0x0  }
0xa0: {  	[sflag:s22] =	ssyncadd.s32 s4;
	_ =	sdelay $0x1  }
0xa1: {  	s23 =	simm.s32 $0x1B8B  }
0xa2: {  	_ =	swait.ge [sflag:s23], $0x1  }
0xa3: {  	[sflag:s23] =	ssyncset.done $0x0  }
0xa4: {  	s25 =	simm.s32 $0x1B8E;
	s24 =	sld [smem:$0x3FFE];
	[sflag:s23] =	ssyncadd.s32 $0xFFFFFFFF  }
0xa5: {  	s26 =	simm.s32 $execute0_lowered;
	[smem:$0x3FD2] =	sst s25  }
0xa6: {  	s5 =	sshll.u32 s26, $0x1;
	_ =	strace $0x80000046;
	[dreg:$0x1] =	wrdreg $0xFFFFFFFF  }
0xa7: {  	s28 =	simm.s32 $_size_execute0_lowered;
	s3 =	sadd.s32 s3, s5;
	[dreg:$0x0] =	wrdreg $0x0  }
0xa8: {  	s5 =	sshll.u32 s28, $0x1;
	[dreg:$0x2] =	wrdreg s3  }
0xa9: {  	[dreg:$0x3] =	wrdreg s5  }
0xaa: {  	[dreg:$0x4] =	wrdreg $0xC0  }
0xab: {  	_ =	task [dreg:s7], $0x5FFFF  }
0xac: {  	[dreg:$0x1] =	wrdreg $0xFFFFFFFF  }
0xad: {  	[dreg:$0x0] =	wrdreg $0x60  }
0xae: {  	[dreg:$0x2] =	wrdreg s24  }
0xaf: {  	[dreg:$0x3] =	wrdreg s2  }
0xb0: {  	[dreg:$0x4] =	wrdreg $0x9  }
0xb1: {  	_ =	task.clear_ibuf [dreg:s7], $0x5FFFF;
	_ =	strace $0x90000046  }
0xb2: {  	s29 =	simm.s32 $0x9;
	_ =	strace $0x80000048  }
0xb3: {  	_ =	swait.ge [sflag:s29], $0x1  }
0xb4: {  	[sflag:s29] =	ssyncadd.s32 $0xFFFFFFFF  }
0xb5: {  	_ =	strace $0x90000048  }
0xb6: {  	_ =	sfence  }
0xb7: {  	s30 =	sld [smem:$0x0];
	_ =	sdelay $0x2  }
0xb8: {  	s31 =	sshll.u32 s1, $0xD;
	s1 =	sshrl.u32 s1, $0x2  }
0xb9: {  	s3 =	sand.u32 $0x4000, s31;
	s1 =	sadd.s32 s1, s30  }
0xba: {  	s0 =	sor.u32 s3, s0;
	s1 =	sshll.u32 s1, $0x11  }
0xbb: {  	s0 =	sor.u32 s1, s0  }
0xbc: {  	s0 =	sadd.s32 $0x8F2B, s0  }
0xbd: {  	[sflag:s0] =	ssyncadd.remote.s32 $0x1  }
0xbe: {  	_ =	sfence.sel $0xFFFF  }
0xbf: {  	[dreg:$0x0] =	wrdreg $0xFFFFFFFF;
	(pc) =	sbr.abs _section_cstart, $3  }
0xc0: {  	[dreg:$0x1] =	wrdreg $0xFFFFFFFF  }
0xc1: {  	_ =	task.clear_ibuf [dreg:s7], $0x2FFFF;
	_ =	strace $0x9FFFFFFF  }
0xc2: {  	(tm) =	ssettm $0x7FFFFFFF  }
0xc3: {  	_ =	shalt  }
tec
execute0_lowered:
.L_overlay_start_1:
0x0: {  	(tag) =	ssettag $0x1  }
0x1: {  	s5 =	rddreg [dreg:$0x0]  }
0x2: {  	s1 =	rddreg [dreg:$0x1]  }
0x3: {  	s0 =	rddreg [dreg:$0x2];
	s2 =	simm.s32 $0x0  }
0x4: {  	s3 =	srdreg.scid;
	s10 =	simm.s32 $0x200;
	s11 =	simm.s32 $0x2200  }
0x5: {  	s12 =	simm.s32 $0x100;
	s13 =	simm.s32 $0x4200;
	s14 =	simm.s32 $0x180  }
0x6: {  	s15 =	simm.s32 $0x6200;
	s16 =	simm.s32 $0x1;
	s17 =	simm.s32 $0x0  }
0x7: {  	[smem:$0x7FF] =	sst s2;
	s6 =	sand.u32 $0x1, s3;
	s3 =	stileid.u32  }
0x8: {  	s4 =	sadd.s32 $0xF42E00, s5;
	s5 =	sadd.s32 $0xA00, s5;
	s7 =	ssub.s32 $0x2, s6  }
0x9: {  	_ =	strace $0x80000047;
	s9 =	sshll.u32 s3, $0x1;
	s8 =	sshrl.u32 s7, $0x1  }
0xa: {  	s6 =	sor.u32 s6, s9;
	s9 =	simm.s32 $0x80;
	s7 =	ssub.s32 s7, s8  }
0xb: {  	v0 =	vimm.f32 $8.000000000e+00;
	s6 =	smul.u32 $0x6400, s6;
	s8 =	simm.s32 $0x2;
	s7 =	smax.u32 s7, $0x1  }
.LBB2_1:
0xc: {  	s18 =	simm.s32 $0x0  }
.LBB2_2:
0xd: {  	s19 =	sshll.u32 s18, $0x9  }
0xe: {  	s19 =	sadd.s32 s6, s19  }
0xf: {  	s20 =	sshrl.u32 s19, $0x3  }
0x10: {  	s21 =	sadd.s32 s5, s20;
	s20 =	simm.s32 $0x0  }
0x11: {  	[tilespmem:s20], [sflag:$0x2] =	stream.linear.gather [hbm4b:s21+s20], $0x200, $0x38;
	[tilespmem:$0x8200] =	vst v63  }
0x12: {  	_ =	swait.ge [sflag:s8], $0x200  }
0x13: {  	[sflag:s8] =	ssyncset.done $0x0  }
0x14: {  	[sflag:s8] =	ssyncadd.s32 $0xFFFFFE00  }
0x15: {  	[tilespmem:s10], [sflag:$0x1] =	stream.indirect.gather [hbm4b:s4+s9], $0x40, s20, s9, $0xb8;
	[tilespmem:$0x8200] =	vst v63  }
0x16: {  	_ = 	snop  }
0x17: {  	[tilespmem:s11], [sflag:$0x1] =	stream.indirect.gather [hbm4b:s4+s9], $0x40, s9, s9, $0xb8;
	[tilespmem:$0x8200] =	vst v63  }
0x18: {  	_ = 	snop  }
0x19: {  	[tilespmem:s13], [sflag:$0x1] =	stream.indirect.gather [hbm4b:s4+s9], $0x40, s12, s9, $0xb8;
	[tilespmem:$0x8200] =	vst v63  }
0x1a: {  	_ = 	snop  }
0x1b: {  	[tilespmem:s15], [sflag:$0x1] =	stream.indirect.gather [hbm4b:s4+s9], $0x40, s14, s9, $0xb8;
	[tilespmem:$0x8200] =	vst v63  }
0x1c: {  	_ =	swait.ge [sflag:s16], $0x2000  }
0x1d: {  	[sflag:s16] =	ssyncset.done $0x0  }
0x1e: {  	[sflag:s16] =	ssyncadd.s32 $0xFFFFE000  }
0x1f: {  	_ =	swait.ge [sflag:s16], $0x2000  }
0x20: {  	[sflag:s16] =	ssyncset.done $0x0  }
0x21: {  	[sflag:s16] =	ssyncadd.s32 $0xFFFFE000  }
0x22: {  	_ =	swait.ge [sflag:s16], $0x2000  }
0x23: {  	[sflag:s16] =	ssyncset.done $0x0  }
0x24: {  	[sflag:s16] =	ssyncadd.s32 $0xFFFFE000  }
0x25: {  	_ =	swait.ge [sflag:s16], $0x2000  }
0x26: {  	[sflag:s16] =	ssyncset.done $0x0  }
0x27: {  	s21 =	simm.s32 $0x400;
	[sflag:s16] =	ssyncadd.s32 $0xFFFFE000  }
.LBB2_3:
0x28: {  	s22 =	sshra.s32 s20, $0x2  }
0x29: {  	v1 =	vld [tilespmem:s22+$0x0];
	_ =	sdelay $0x3  }
0x2a: {  	v2 =	vld [tilespmem:s21+$0xFFFFFE00]  }
0x2b: {  	v3 =	vld [tilespmem:s21+$0xFFFFFE10];
	vm0 =	veq.s32 v1, $0x0  }
0x2c: {  	v1 =	vsel vm0, $0x0, v0  }
0x2d: {  	v5 =	vbroadcast v1, $0x0;
	_ =	sdelay $0x1  }
0x2e: {  	v4 =	vld [tilespmem:s21+$0xFFFFFE20];
	v2 =	vmul.f32 v5, v2  }
0x2f: {  	v6 =	vld [tilespmem:s21+$0xFFFFFE30];
	v3 =	vmul.f32 v5, v3  }
0x30: {  	[tilespmem:s21+$0xFFFFFE00] =	vst v2;
	v2 =	vld [tilespmem:s21+$0xFFFFFE80]  }
0x31: {  	[tilespmem:s21+$0xFFFFFE10] =	vst v3;
	v3 =	vld [tilespmem:s21+$0xFFFFFE90]  }
0x32: {  	v53 =	vld [tilespmem:s21+$0xFFFFFEB0]  }
0x33: {  	v54 =	vld [tilespmem:s21+$0xFFFFFEC0];
	v52 =	vbroadcast v1, $0x2;
	v4 =	vmul.f32 v5, v4  }
0x34: {  	v56 =	vld [tilespmem:s21+$0xFFFFFEE0];
	v5 =	vmul.f32 v6, v5  }
0x35: {  	v58 =	vld [tilespmem:s21+$0xFFFFFEF0];
	[tilespmem:s21+$0xFFFFFE20] =	vst v4;
	v2 =	vmul.f32 v2, v52  }
0x36: {  	v7 =	vld [tilespmem:s21+$0xFFFFFE40];
	v57 =	vbroadcast v1, $0x3;
	[tilespmem:s21+$0xFFFFFE30] =	vst v5;
	v3 =	vmul.f32 v3, v52  }
0x37: {  	v8 =	vld [tilespmem:s21+$0xFFFFFE50];
	[tilespmem:s21+$0xFFFFFE80] =	vst v2;
	v2 =	vmul.f32 v53, v52  }
0x38: {  	v9 =	vld [tilespmem:s21+$0xFFFFFE60];
	[tilespmem:s21+$0xFFFFFE90] =	vst v3;
	v3 =	vmul.f32 v54, v57  }
0x39: {  	v11 =	vld [tilespmem:s21+$0xFFFFFE70];
	v10 =	vbroadcast v1, $0x1;
	[tilespmem:s21+$0xFFFFFEB0] =	vst v2;
	v2 =	vmul.f32 v56, v57  }
0x3a: {  	v55 =	vld [tilespmem:s21+$0xFFFFFED0];
	[tilespmem:s21+$0xFFFFFEC0] =	vst v3;
	v3 =	vmul.f32 v58, v57  }
0x3b: {  	v49 =	vmul.f32 v7, v10;
	[tilespmem:s21+$0xFFFFFEE0] =	vst v2;
	v2 =	vld [tilespmem:s21+$0xFFFFFF00]  }
0x3c: {  	v51 =	vmul.f32 v8, v10;
	[tilespmem:s21+$0xFFFFFEF0] =	vst v3;
	v3 =	vld [tilespmem:s21+$0xFFFFFF10]  }
0x3d: {  	v63 =	vld [tilespmem:s21+$0xFFFFFF40];
	v9 =	vmul.f32 v9, v10;
	[tilespmem:s21+$0xFFFFFE40] =	vst v49  }
0x3e: {  	v12 =	vld [tilespmem:s21+$0xFFFFFF50];
	v61 =	vbroadcast v1, $0x4;
	v10 =	vmul.f32 v11, v10;
	[tilespmem:s21+$0xFFFFFE50] =	vst v51  }
0x3f: {  	v22 =	vld [tilespmem:s21+$0xFFFFFFD0];
	v59 =	vmul.f32 v55, v57;
	[tilespmem:s21+$0xFFFFFE60] =	vst v9  }
0x40: {  	v30 =	vld [tilespmem:s21+$0x40];
	v14 =	vbroadcast v1, $0x5;
	[tilespmem:s21+$0xFFFFFE70] =	vst v10;
	v2 =	vmul.f32 v2, v61  }
0x41: {  	v31 =	vld [tilespmem:s21+$0x50];
	[tilespmem:s21+$0xFFFFFED0] =	vst v59;
	v3 =	vmul.f32 v3, v61  }
0x42: {  	v24 =	vbroadcast v1, $0x7;
	v16 =	vmul.f32 v63, v14;
	[tilespmem:s21+$0xFFFFFF00] =	vst v2;
	v2 =	vld [tilespmem:s21+$0xFFFFFF80]  }
0x43: {  	v33 =	vbroadcast v1, $0x9;
	v18 =	vmul.f32 v12, v14;
	[tilespmem:s21+$0xFFFFFF10] =	vst v3;
	v3 =	vld [tilespmem:s21+$0xFFFFFF90]  }
0x44: {  	v20 =	vld [tilespmem:s21+$0xFFFFFFB0];
	v26 =	vmul.f32 v22, v24;
	[tilespmem:s21+$0xFFFFFF40] =	vst v16  }
0x45: {  	v21 =	vld [tilespmem:s21+$0xFFFFFFC0];
	v19 =	vbroadcast v1, $0x6;
	v35 =	vmul.f32 v30, v33;
	[tilespmem:s21+$0xFFFFFF50] =	vst v18  }
0x46: {  	v23 =	vld [tilespmem:s21+$0xFFFFFFE0];
	v37 =	vmul.f32 v31, v33;
	[tilespmem:s21+$0xFFFFFFD0] =	vst v26  }
0x47: {  	v25 =	vld [tilespmem:s21+$0xFFFFFFF0];
	[tilespmem:s21+$0x40] =	vst v35;
	v2 =	vmul.f32 v2, v19  }
0x48: {  	v41 =	vld [tilespmem:s21+$0xD0];
	[tilespmem:s21+$0x50] =	vst v37;
	v3 =	vmul.f32 v3, v19  }
0x49: {  	v50 =	vld [tilespmem:s21+$0xFFFFFEA0];
	[tilespmem:s21+$0xFFFFFF80] =	vst v2;
	v2 =	vmul.f32 v20, v19  }
0x4a: {  	v62 =	vld [tilespmem:s21+$0xFFFFFF30];
	[tilespmem:s21+$0xFFFFFF90] =	vst v3;
	v3 =	vmul.f32 v21, v24  }
0x4b: {  	v13 =	vld [tilespmem:s21+$0xFFFFFF60];
	v43 =	vbroadcast v1, $0xB;
	[tilespmem:s21+$0xFFFFFFB0] =	vst v2;
	v2 =	vmul.f32 v23, v24  }
0x4c: {  	v15 =	vld [tilespmem:s21+$0xFFFFFF70];
	[tilespmem:s21+$0xFFFFFFC0] =	vst v3;
	v3 =	vmul.f32 v25, v24  }
0x4d: {  	v45 =	vmul.f32 v41, v43;
	[tilespmem:s21+$0xFFFFFFE0] =	vst v2;
	v2 =	vld [tilespmem:s21+$0x0]  }
0x4e: {  	v4 =	vmul.f32 v50, v52;
	[tilespmem:s21+$0xFFFFFFF0] =	vst v3;
	v3 =	vld [tilespmem:s21+$0x10]  }
0x4f: {  	v60 =	vld [tilespmem:s21+$0xFFFFFF20];
	v5 =	vmul.f32 v62, v61;
	[tilespmem:s21+$0xD0] =	vst v45  }
0x50: {  	v29 =	vld [tilespmem:s21+$0x30];
	v28 =	vbroadcast v1, $0x8;
	v9 =	vmul.f32 v13, v14;
	[tilespmem:s21+$0xFFFFFEA0] =	vst v4  }
0x51: {  	v32 =	vld [tilespmem:s21+$0x60];
	v10 =	vmul.f32 v15, v14;
	[tilespmem:s21+$0xFFFFFF30] =	vst v5  }
0x52: {  	v34 =	vld [tilespmem:s21+$0x70];
	[tilespmem:s21+$0xFFFFFF60] =	vst v9;
	v2 =	vmul.f32 v2, v28  }
0x53: {  	v17 =	vld [tilespmem:s21+$0xFFFFFFA0];
	[tilespmem:s21+$0xFFFFFF70] =	vst v10;
	v3 =	vmul.f32 v3, v28  }
0x54: {  	v4 =	vmul.f32 v60, v61;
	[tilespmem:s21+$0x0] =	vst v2;
	v2 =	vld [tilespmem:s21+$0x80]  }
0x55: {  	v5 =	vmul.f32 v29, v28;
	[tilespmem:s21+$0x10] =	vst v3;
	v3 =	vld [tilespmem:s21+$0x90]  }
0x56: {  	v39 =	vld [tilespmem:s21+$0xB0];
	v9 =	vmul.f32 v32, v33;
	[tilespmem:s21+$0xFFFFFF20] =	vst v4  }
0x57: {  	v40 =	vld [tilespmem:s21+$0xC0];
	v38 =	vbroadcast v1, $0xA;
	v10 =	vmul.f32 v34, v33;
	[tilespmem:s21+$0x30] =	vst v5  }
0x58: {  	v42 =	vld [tilespmem:s21+$0xE0];
	v4 =	vmul.f32 v17, v19;
	[tilespmem:s21+$0x60] =	vst v9  }
0x59: {  	v44 =	vld [tilespmem:s21+$0xF0];
	[tilespmem:s21+$0x70] =	vst v10;
	v2 =	vmul.f32 v2, v38  }
0x5a: {  	v27 =	vld [tilespmem:s21+$0x20];
	[tilespmem:s21+$0xFFFFFFA0] =	vst v4;
	v3 =	vmul.f32 v3, v38  }
0x5b: {  	v48 =	vld [tilespmem:s21+$0x130];
	[tilespmem:s21+$0x80] =	vst v2;
	v2 =	vmul.f32 v39, v38  }
0x5c: {  	v36 =	vld [tilespmem:s21+$0xA0];
	[tilespmem:s21+$0x90] =	vst v3;
	v3 =	vmul.f32 v40, v43  }
0x5d: {  	v49 =	vld [tilespmem:s21+$0x140];
	[tilespmem:s21+$0xB0] =	vst v2;
	v2 =	vmul.f32 v42, v43  }
0x5e: {  	v47 =	vbroadcast v1, $0xC;
	v50 =	vld [tilespmem:s21+$0x150];
	[tilespmem:s21+$0xC0] =	vst v3;
	v3 =	vmul.f32 v44, v43  }
0x5f: {  	v4 =	vmul.f32 v27, v28;
	[tilespmem:s21+$0xE0] =	vst v2;
	v2 =	vld [tilespmem:s21+$0x100]  }
0x60: {  	v5 =	vmul.f32 v48, v47;
	v52 =	vbroadcast v1, $0xD;
	[tilespmem:s21+$0xF0] =	vst v3;
	v3 =	vld [tilespmem:s21+$0x110]  }
0x61: {  	v51 =	vld [tilespmem:s21+$0x160];
	[tilespmem:s21+$0x20] =	vst v4;
	v4 =	vmul.f32 v36, v38  }
0x62: {  	v46 =	vld [tilespmem:s21+$0x120];
	[tilespmem:s21+$0x130] =	vst v5;
	v54 =	vmul.f32 v49, v52  }
0x63: {  	v60 =	vld [tilespmem:s21+$0x1D0];
	v56 =	vmul.f32 v50, v52;
	[tilespmem:s21+$0xA0] =	vst v4  }
0x64: {  	v53 =	vld [tilespmem:s21+$0x170];
	[tilespmem:s21+$0x140] =	vst v54;
	v2 =	vmul.f32 v2, v47  }
0x65: {  	v55 =	vld [tilespmem:s21+$0x1A0];
	v57 =	vbroadcast v1, $0xE;
	[tilespmem:s21+$0x150] =	vst v56;
	v3 =	vmul.f32 v3, v47  }
0x66: {  	v9 =	vmul.f32 v51, v52;
	v1 =	vbroadcast v1, $0xF;
	[tilespmem:s21+$0x100] =	vst v2;
	v2 =	vld [tilespmem:s21+$0x180]  }
0x67: {  	v4 =	vmul.f32 v46, v47;
	[tilespmem:s21+$0x110] =	vst v3;
	v3 =	vld [tilespmem:s21+$0x190]  }
0x68: {  	v58 =	vld [tilespmem:s21+$0x1B0];
	[tilespmem:s21+$0x160] =	vst v9;
	v63 =	vmul.f32 v60, v1  }
0x69: {  	v59 =	vld [tilespmem:s21+$0x1C0];
	[tilespmem:s21+$0x120] =	vst v4;
	v10 =	vmul.f32 v53, v52  }
0x6a: {  	v4 =	vmul.f32 v55, v57;
	[tilespmem:s21+$0x1D0] =	vst v63;
	v61 =	vld [tilespmem:s21+$0x1E0]  }
0x6b: {  	v62 =	vld [tilespmem:s21+$0x1F0];
	[tilespmem:s21+$0x170] =	vst v10;
	v2 =	vmul.f32 v2, v57  }
0x6c: {  	[tilespmem:s21+$0x1A0] =	vst v4;
	v3 =	vmul.f32 v3, v57  }
0x6d: {  	p0 =	sne.s32 s20, $0x7C0;
	[tilespmem:s21+$0x180] =	vst v2;
	v2 =	vmul.f32 v58, v57  }
.Ltmp0:
0x6e: {  	[tilespmem:s21+$0x190] =	vst v3;
	v3 =	vmul.f32 v59, v1;
	(pc) =	sbr.rel @p0 .LBB2_3-.Ltmp0, $4  }
0x6f: {  	[tilespmem:s21+$0x1B0] =	vst v2;
	v2 =	vmul.f32 v61, v1  }
0x70: {  	[tilespmem:s21+$0x1C0] =	vst v3;
	v1 =	vmul.f32 v62, v1  }
0x71: {  	[tilespmem:s21+$0x1E0] =	vst v2  }
0x72: {  	s20 =	sadd.s32 $0x40, s20;
	[tilespmem:s21+$0x1F0] =	vst v1;
	s21 =	sadd.s32 $0x400, s21  }
0x73: {  	s18 =	sadd.s32 $0x1, s18  }
0x74: {  	s19 =	sshll.u32 s19, $0x3;
	p0 =	sne.s32 s18, $0x32  }
.Ltmp1:
0x75: {  	s19 =	sadd.s32 s1, s19;
	(pc) =	sbr.rel @p0 .LBB2_2-.Ltmp1, $4  }
0x76: {  	[hbm4b:s19+s2] =	stream.linear.scatter [tilespmem:s10], [sflag:$0x2], $0x8000, $0x38;
	[tilespmem:$0x8200] =	vst v63  }
0x77: {  	_ =	swait.ge [sflag:s8], $0x8000  }
0x78: {  	[sflag:s8] =	ssyncset.done $0x0  }
0x79: {  	[sflag:s8] =	ssyncadd.s32 $0xFFFF8000  }
0x7a: {  	s17 =	sadd.s32 $0x1, s17  }
0x7b: {  	p0 =	sne.s32 s17, s7  }
.Ltmp2:
0x7c: {  	_ = 	snop;
	(pc) =	sbr.rel @p0 .LBB2_1-.Ltmp2, $1  }
0x7d: {  	_ =	sdelay $0x3  }
0x7e: {  	_ =	sfence.sel $0x180000  }
0x7f: {  	[bflag:$0x0] =	sbarrier.arrive $0xFFFF  }
0x80: {  	p0 =	sne.s32 s3, $0x0;
	_ =	strace $0x90000047  }
0x81: {  	s0 =	sadd.s32 @!p0 $0x100000, s0;
	[bflag:$0x2] =	sbarrier.arrive $0xFFFF  }
0x82: {  	[sflag:s0] =	ssyncadd.tile.s32 @!p0 $0x1;
	_ =	shalt  }
.Lfunc_end2:
_tile_overlayer_lowered:
.L_overlay_start_2:
0x83: {  	(tag) =	ssettag $0x2  }
0x84: {  	s0 =	rddreg [dreg:$0x0];
	s2 =	stileid.u32  }
0x85: {  	s1 =	rddreg [dreg:$0x1];
	p0 =	sne.s32 s2, $0x0  }
0x86: {  	s3 =	rddreg [dreg:$0x2];
	[bflag:$0x3] =	sbarrier.arrive $0xFFFF;
	s2 =	simm.s32 @!p0 $0x1C02  }
0x87: {  	[timem:s3], [sflag:s2] =	dma.local @!p0 [hbm:s0], s1  }
0x88: {  	s0 =	simm.s32 @!p0 $0x2  }
0x89: {  	_ =	swait.ge @!p0 [sflag:s0], s1  }
0x8a: {  	s1 =	ssub.s32 @!p0 $0x0, s1;
	[sflag:s0] =	ssyncset.done @!p0 $0x0  }
0x8b: {  	[sflag:s0] =	ssyncadd.s32 @!p0 s1  }
0x8c: {  	[bflag:$0x3] =	sbarrier.arrive $0xFFFF  }
0x8d: {  	_ =	shalt  }

// kernel: sparse-core-data-format-call.cloned.1.call-start
scs
called_computation_lowered:
.L_overlay_start_0:
0x0: {  	s2 =	sld [smem:$0x3FD9]  }
0x1: {  	s3 =	sld [smem:$0x3FFE];
	_ =	sdelay $0x1  }
0x2: {  	s1 =	srdreg.scid  }
0x3: {  	s0 =	sand.u32 $0x1, s1  }
0x4: {  	s18 =	sshll.u32 s0, $0xA;
	s2 =	sadd.s32 s3, s2  }
0x5: {  	s2 =	sadd.s32 s2, s18  }
0x6: {  	[smem:$0x3FC6] =	sst s2  }
0x7: {  	_ = 	snop  }
0x8: {  	s2 =	sld [smem:$0x3FD0];
	(tm) =	ssettm $0x1  }
0x9: {  	s19 =	sld [smem:$0x3FFB];
	_ =	sdelay $0x3  }
0xa: {  	_ =	strace s19  }
0xb: {  	s3 =	sld [smem:$0x3FFC];
	_ =	sdelay $0x3  }
0xc: {  	_ =	strace s3  }
0xd: {  	s3 =	sld [smem:$0x3FFD];
	_ =	sdelay $0x3  }
0xe: {  	_ =	strace s3  }
0xf: {  	_ =	strace $0x8FFFFFFF  }
0x10: {  	s20 =	sld [smem:$0x3FDB];
	_ =	sdelay $0x1  }
0x11: {  	s4 =	simm.s32 $_scs_section_size  }
0x12: {  	s5 =	simm.s32 $_size__tile_overlayer_lowered;
	s6 =	simm.s32 $_tile_overlayer_lowered  }
0x13: {  	s23 =	simm.s32 $0x1BFF;
	s22 =	sshll.u32 s6, $0x1;
	s3 =	sadd.s32 s4, s20  }
0x14: {  	s7 =	simm.s32 $0x0;
	s21 =	sshll.u32 s5, $0x1;
	s5 =	sadd.s32 s22, s3  }
0x15: {  	[timem:s7], [sflag:s23] =	dma.local [hbm:s5], s21  }
0x16: {  	_ =	swait.ge [sflag:s23], s21  }
0x17: {  	s4 =	ssub.s32 $0x0, s21;
	[sflag:s23] =	ssyncset.done $0x0  }
0x18: {  	[sflag:s23] =	ssyncadd.s32 s4;
	_ =	sdelay $0x1  }
0x19: {  	s24 =	simm.s32 $0x1B8B  }
0x1a: {  	_ =	swait.ge [sflag:s24], $0x1  }
0x1b: {  	[sflag:s24] =	ssyncset.done $0x0  }
0x1c: {  	s26 =	simm.s32 $0x1B8E;
	s25 =	sld [smem:$0x3FFE];
	[sflag:s24] =	ssyncadd.s32 $0xFFFFFFFF  }
0x1d: {  	s27 =	simm.s32 $execute0_lowered;
	[smem:$0x3FD2] =	sst s26  }
0x1e: {  	s5 =	sshll.u32 s27, $0x1;
	_ =	strace $0x80000049;
	[dreg:$0x1] =	wrdreg $0xFFFFFFFF  }
0x1f: {  	s28 =	simm.s32 $_size_execute0_lowered;
	s3 =	sadd.s32 s3, s5;
	[dreg:$0x0] =	wrdreg $0x0  }
0x20: {  	s5 =	sshll.u32 s28, $0x1;
	[dreg:$0x2] =	wrdreg s3  }
0x21: {  	[dreg:$0x3] =	wrdreg s5  }
0x22: {  	[dreg:$0x4] =	wrdreg $0xC0  }
0x23: {  	_ =	task [dreg:s7], $0x5FFFF  }
0x24: {  	[dreg:$0x1] =	wrdreg $0xFFFFFFFF  }
0x25: {  	[dreg:$0x0] =	wrdreg $0x60  }
0x26: {  	[dreg:$0x2] =	wrdreg s25  }
0x27: {  	[dreg:$0x3] =	wrdreg s2  }
0x28: {  	[dreg:$0x4] =	wrdreg $0x9  }
0x29: {  	_ =	task.clear_ibuf [dreg:s7], $0x5FFFF;
	_ =	strace $0x90000049  }
0x2a: {  	s29 =	simm.s32 $0x9;
	_ =	strace $0x8000004B  }
0x2b: {  	_ =	swait.ge [sflag:s29], $0x1  }
0x2c: {  	[sflag:s29] =	ssyncadd.s32 $0xFFFFFFFF  }
0x2d: {  	_ =	strace $0x9000004B  }
0x2e: {  	_ =	sfence  }
0x2f: {  	s30 =	sld [smem:$0x0];
	_ =	sdelay $0x2  }
0x30: {  	s31 =	sshll.u32 s1, $0xD;
	s1 =	sshrl.u32 s1, $0x2  }
0x31: {  	s3 =	sand.u32 $0x4000, s31;
	s1 =	sadd.s32 s1, s30  }
0x32: {  	s0 =	sor.u32 s3, s0;
	s1 =	sshll.u32 s1, $0x11  }
0x33: {  	s0 =	sor.u32 s1, s0  }
0x34: {  	s0 =	sadd.s32 $0x8F2B, s0  }
0x35: {  	[sflag:s0] =	ssyncadd.remote.s32 $0x1  }
0x36: {  	_ =	sfence.sel $0xFFFF  }
0x37: {  	[dreg:$0x0] =	wrdreg $0xFFFFFFFF;
	(pc) =	sbr.abs _section_cstart, $3  }
0x38: {  	[dreg:$0x1] =	wrdreg $0xFFFFFFFF  }
0x39: {  	_ =	task.clear_ibuf [dreg:s7], $0x2FFFF;
	_ =	strace $0x9FFFFFFF  }
0x3a: {  	(tm) =	ssettm $0x7FFFFFFF  }
0x3b: {  	_ =	shalt  }
tec
execute0_lowered:
.L_overlay_start_1:
0x0: {  	(tag) =	ssettag $0x1  }
0x1: {  	s0 =	srdreg.scid  }
0x2: {  	s1 =	sshll.u32 s0, $0x4  }
0x3: {  	s0 =	stileid.u32;
	s1 =	sand.u32 $0x10, s1  }
0x4: {  	s1 =	sor.u32 s0, s1  }
0x5: {  	s6 =	rddreg [dreg:$0x0];
	s4 =	simm.s32 $0x1;
	s2 =	sshll.u32 s1, $0x7  }
0x6: {  	s7 =	simm.s32 $0x2;
	s12 =	simm.s32 $0x0;
	s1 =	ssub.s32 $0x1000, s2  }
0x7: {  	s8 =	simm.s32 $0x8000;
	s13 =	simm.s32 $0x0;
	s3 =	sand.u32 $0xF80, s1  }
0x8: {  	s9 =	simm.s32 $0x0;
	s5 =	sshrl.u32 s1, $0xC;
	p0 =	sne.s32 s3, $0x0  }
.Ltmp0:
0x9: {  	s1 =	rddreg [dreg:$0x2];
	s4 =	simm.s32 @!p0 $0x0;
	(pc) =	sbr.rel .LBB1_1-.Ltmp0, $4  }
0xa: {  	s11 =	simm.s32 $0x0;
	s3 =	rddreg [dreg:$0x1];
	s5 =	sadd.s32 s4, s5  }
0xb: {  	_ =	strace $0x8000004A;
	s4 =	simm.s32 $0x1;
	s5 =	smul.u32 $0xC8, s5  }
0xc: {  	s6 =	sadd.s32 $0xA00, s6;
	s10 =	smov.u32 s2;
	[sflag:s4] =	ssyncpa.u1 $0x0  }
0xd: {  	p0 =	por $0x0, $0x0;
	[sflag:s7] =	ssyncpa.u1 $0x0;
	s7 =	sor.u32 $0x1, s5  }
.LBB1_4:
0xe: {  	s16 =	sshll.u32 s13, $0x3;
	s17 =	sand.u32 $0x78, s13  }
0xf: {  	s30 =	sand.u32 $0x7E00, s13;
	s12 =	sshll.u32 s12, $0xF;
	s16 =	sand.u32 $0xC00, s16  }
0x10: {  	[tilespmem:s15+$0x810 ss:$0x81] =	vst.msk $0xffff, v2;
	s31 =	sand.u32 $0x7, s13;
	s16 =	sor.u32 s17, s16;
	s17 =	sadd.s32 s3, s30  }
0x11: {  	[tilespmem:s15+$0x1020 ss:$0x81] =	vst.msk $0xffff, v0;
	s13 =	sshll.u32 s31, $0x12;
	s12 =	sadd.s32 s12, s17;
	s16 =	sshrl.u32 s16, $0x3  }
0x12: {  	[tilespmem:s15+$0x0 ss:$0x81] =	vst.msk $0xffff, v1;
	s13 =	sor.u32 $0x400, s13;
	s12 =	sadd.s32 s16, s12  }
0x13: {  	[hbm4b:s12+s13] =	stream.strided.scatter [tilespmem:s14], [sflag:$0x2], $0x2000, s8, s13, $0x20;
	[tilespmem:$0x8080] =	vst v63  }
.LBB1_5:
0x14: {  	s14 =	sadd.s32 $0x1, s9  }
0x15: {  	s12 =	sadd.s32 $0x1000, s10;
	s16 =	smov.u32 s10;
	p2 =	sgt.s32 s14, $0xC7  }
0x16: {  	s16 =	smov.u32 @p2 s12  }
0x17: {  	s14 =	simm.s32 @p2 $0x0;
	p2 =	sgt.s32 s16, $0xFFF  }
0x18: {  	s16 =	smov.u32 @p2 s2;
	p2 =	sne.s32 s11, s7  }
.Ltmp1:
0x19: {  	p1 =	slt.u32 s11, $0x2;
	(pc) =	sbr.rel @!p2 .LBB1_6-.Ltmp1, $4  }
0x1a: {  	s15 =	simm.s32 @!p1 $0x2  }
0x1b: {  	s13 =	smov.u32 s10;
	p0 =	por !p0, !p0;
	_ =	swait.ge @!p1 [sflag:s15], $0x2000  }
0x1c: {  	s12 =	smov.u32 s9;
	[sflag:s15] =	ssyncset.done @!p1 $0x0;
	s9 =	smov.u32 s14  }
0x1d: {  	s11 =	sadd.s32 $0x1, s11;
	[sflag:s15] =	ssyncadd.s32 @!p1 $0xFFFFE000;
	s10 =	smov.u32 s16  }
.LBB1_1:
0x1e: {  	p1 =	sge.u32 s11, s5  }
0x1f: {  	s14 =	sand.u32 @!p1 $0x1FFFFFF, s9  }
0x20: {  	s15 =	smulhi.u32 @!p1 $0x147AE15, s14;
	_ =	sdelay $0x1  }
0x21: {  	s15 =	smul.u32 @!p1 $0xC8, s15  }
0x22: {  	s16 =	sxor.u32 @!p1 $0xFFFFFFFF, s11;
	s17 =	smul.u32 @!p1 $0xC80, s10  }
0x23: {  	s31 =	sadd.s32 $0xFFFFFFFF, s11;
	s16 =	sshll.u32 @!p1 s16, $0xD;
	s14 =	ssub.s32 @!p1 s14, s15  }
0x24: {  	s15 =	sand.u32 @!p1 $0x2000, s16;
	s16 =	sadd.s32 @!p1 s6, s17;
	s14 =	sshll.u32 @!p1 s14, $0x4  }
0x25: {  	s17 =	simm.s32 @!p1 $0x6400;
	s14 =	sadd.s32 @!p1 s14, s16;
	s16 =	simm.s32 @!p1 $0x40  }
0x26: {  	[tilespmem:s15], [sflag:$0x1] =	stream.strided.gather @!p1 [hbm4b:s14+s16], $0x2000, s17, s16, $0x38;
	[tilespmem:$0x8080] =	vst v63  }
0x27: {  	p1 =	sge.u32 s31, s5  }
.Ltmp2:
0x28: {  	_ = 	snop;
	(pc) =	sbr.rel @p1 .LBB1_5-.Ltmp2, $1  }
0x29: {  	_ =	sdelay $0x3  }
0x2a: {  	s14 =	simm.s32 $0x1  }
0x2b: {  	_ =	swait.ge [sflag:s4], $0x2000;
	s14 =	simm.s32 @!p0 $0x0  }
0x2c: {  	[sflag:s4] =	ssyncset.done $0x0;
	s15 =	sshll.u32 s14, $0xD  }
0x2d: {  	[sflag:s4] =	ssyncadd.s32 $0xFFFFE000;
	s18 =	sor.u32 $0x20, s15  }
0x2e: {  	s14 =	smul.u32 $0x8100, s14;
	v3 =	vld [tilespmem:s18+$0x10]  }
0x2f: {  	s30 =	sand.u32 $0x1, s11;
	v2 =	vld [tilespmem:s18+$0xFFFFFFF0]  }
0x30: {  	s15 =	smul.u32 $0x8100, s30;
	s14 =	sshrl.u32 s14, $0x2;
	v0 =	vld [tilespmem:s18+$0x0]  }
0x31: {  	v1 =	vld [tilespmem:s18+$0xFFFFFFE0];
	s16 =	sor.u32 $0x4000, s14  }
0x32: {  	s31 =	sshrl.u32 s15, $0x2;
	s15 =	sadd.s32 $0x0, s16  }
0x33: {  	s17 =	simm.s32 $0x4;
	s18 =	sadd.s32 $0x40, s18;
	s14 =	sor.u32 $0x4000, s31;
	[tilespmem:s15+$0x1830 ss:$0x81] =	vst.msk $0xffff, v3  }
.LBB1_3:
0x34: {  	v3 =	vld [tilespmem:s18+$0x10];
	p1 =	sne.s32 s17, $0x1FC;
	[tilespmem:s15+$0x810 ss:$0x81] =	vst.msk $0xffff, v2;
	s19 =	smov.u32 s17;
	s17 =	sadd.s32 $0x4, s17  }
.Ltmp3:
0x35: {  	v2 =	vld [tilespmem:s18+$0xFFFFFFF0];
	[tilespmem:s15+$0x1020 ss:$0x81] =	vst.msk $0xffff, v0;
	(pc) =	sbr.rel @p1 .LBB1_3-.Ltmp3, $4  }
0x36: {  	v0 =	vld [tilespmem:s18+$0x0];
	[tilespmem:s15+$0x0 ss:$0x81] =	vst.msk $0xffff, v1  }
0x37: {  	s15 =	sshra.s32 s19, $0x2;
	v1 =	vld [tilespmem:s18+$0xFFFFFFE0]  }
0x38: {  	s15 =	sadd.s32 s15, s16  }
0x39: {  	s18 =	sadd.s32 $0x40, s18;
	[tilespmem:s15+$0x1830 ss:$0x81] =	vst.msk $0xffff, v3  }
.Ltmp4:
0x3a: {  	_ = 	snop;
	(pc) =	sbr.rel .LBB1_4-.Ltmp4, $1  }
0x3b: {  	_ =	sdelay $0x3  }
.LBB1_6:
0x3c: {  	_ =	sfence.sel $0x180000  }
0x3d: {  	s2 =	simm.s32 $0x1;
	[bflag:$0x0] =	sbarrier.arrive $0xFFFF  }
0x3e: {  	s31 =	simm.s32 $0x2;
	[sflag:s2] =	ssyncpa.u1 $0x1  }
0x3f: {  	[sflag:s31] =	ssyncpa.u1 $0x1  }
0x40: {  	p0 =	sne.s32 s0, $0x0;
	_ =	strace $0x9000004A  }
0x41: {  	s0 =	sadd.s32 @!p0 $0x100000, s1;
	[bflag:$0x2] =	sbarrier.arrive $0xFFFF  }
0x42: {  	[sflag:s0] =	ssyncadd.tile.s32 @!p0 $0x1;
	_ =	shalt  }
.Lfunc_end1:
_tile_overlayer_lowered:
.L_overlay_start_2:
0x43: {  	(tag) =	ssettag $0x2  }
0x44: {  	s0 =	rddreg [dreg:$0x0];
	s2 =	stileid.u32  }
0x45: {  	s1 =	rddreg [dreg:$0x1];
	p0 =	sne.s32 s2, $0x0  }
0x46: {  	s3 =	rddreg [dreg:$0x2];
	[bflag:$0x3] =	sbarrier.arrive $0xFFFF;
	s2 =	simm.s32 @!p0 $0x1C01  }
0x47: {  	[timem:s3], [sflag:s2] =	dma.local @!p0 [hbm:s0], s1  }
0x48: {  	s0 =	simm.s32 @!p0 $0x1  }
0x49: {  	_ =	swait.ge @!p0 [sflag:s0], s1  }
0x4a: {  	s1 =	ssub.s32 @!p0 $0x0, s1;
	[sflag:s0] =	ssyncset.done @!p0 $0x0  }
0x4b: {  	[sflag:s0] =	ssyncadd.s32 @!p0 s1  }
0x4c: {  	[bflag:$0x3] =	sbarrier.arrive $0xFFFF  }
0x4d: {  	_ =	shalt  }

</sc_bundles>
